<compile_context>
chip_gen: v7x
topology: tpu7x:2x2x1
jax: 0.10.2.dev20260603
libtpu: 0.0.44.dev20260713+nightly
codegen_flags: <defaults>
</compile_context>

<pallas_src>
import jax
import jax.numpy as jnp
from jax.experimental import pallas as pl

N_POS = 4096
DIM = 100


def _predictor_body(src_ref, dst_ref, neg_ref, Wsrc_ref, Wdst_ref, bh1_ref,
                    Wout_ref, bout_ref, pos_ref, negs_ref):
    h_src = src_ref[...] @ Wsrc_ref[...]
    h_pos = jax.nn.relu(h_src + dst_ref[...] @ Wdst_ref[...] + bh1_ref[...])
    h_neg = jax.nn.relu(h_src + neg_ref[...] @ Wdst_ref[...] + bh1_ref[...])
    pos_ref[...] = h_pos @ Wout_ref[...] + bout_ref[...]
    negs_ref[...] = h_neg @ Wout_ref[...] + bout_ref[...]


def kernel(memory, node_feat, edge_feat, node_ids, ts, mem_ts, w_time, b_time,
           W_x, W_h, b_x, b_h, ln_gamma, ln_beta, W_tproj, b_tproj,
           W_src, W_dst, b_h1, W_out, b_out):
    B = node_feat.shape[0]
    mem = jnp.take(memory, node_ids, axis=0)
    delta = ts - mem_ts
    tenc = jnp.cos(delta[:, None] * w_time[None, :] + b_time[None, :])
    x = jnp.concatenate([node_feat, edge_feat, tenc], axis=1)
    gx = x @ W_x + b_x
    gh = mem @ W_h + b_h
    xr, xz, xn = jnp.split(gx, 3, axis=1)
    hr, hz, hn = jnp.split(gh, 3, axis=1)
    r = jax.nn.sigmoid(xr + hr)
    z = jax.nn.sigmoid(xz + hz)
    n = jnp.tanh(xn + r * hn)
    new_mem = (1.0 - z) * n + z * mem

    lastpos = jnp.full((memory.shape[0],), -1, jnp.int32).at[node_ids].max(
        jnp.arange(B, dtype=jnp.int32))
    win = jnp.take(lastpos, node_ids)
    scatter_rows = jnp.take(new_mem, win, axis=0)
    updated_memory = memory.at[node_ids].set(scatter_rows)

    mu = jnp.mean(new_mem, axis=1, keepdims=True)
    var = jnp.var(new_mem, axis=1, keepdims=True)
    h = (new_mem - mu) / jnp.sqrt(var + 1e-5) * ln_gamma + ln_beta
    h = h * (1.0 + delta[:, None] @ W_tproj + b_tproj)

    src = h[:N_POS]
    dst = h[N_POS:2 * N_POS]
    neg = h[2 * N_POS:]
    pos_score, neg_score = pl.pallas_call(
        _predictor_body,
        out_shape=(jax.ShapeDtypeStruct((N_POS, 1), jnp.float32),
                   jax.ShapeDtypeStruct((N_POS, 1), jnp.float32)),
    )(src, dst, neg, W_src, W_dst, b_h1.reshape(1, DIM),
      W_out, b_out.reshape(1, 1))
    return pos_score, neg_score, updated_memory

# --- scband reference (transcript-rebuilt; emitter-appended) ---
"""Pipeline reference for scband-jodie-84585085927582 (READ-ONLY COPY).

The authoritative reference and input builder live on the scoring server;
editing this copy changes nothing except your own understanding.
"""

import jax, jax.numpy as jnp
import numpy as np

N_POS = 4096
NUM_NODES = 100000
DIM = 100
DIM_TIME = 100


def setup_inputs(seed: int = 0) -> dict:
    key = jax.random.key(seed)
    ks = jax.random.split(key, 20)
    B = 3 * N_POS
    s = 0.05
    inp = {}
    # forward tensors
    inp["memory"] = jax.random.normal(ks[0], (NUM_NODES, DIM), dtype=jnp.float32)
    inp["node_feat"] = jax.random.normal(ks[1], (B, DIM), dtype=jnp.float32)
    inp["edge_feat"] = jax.random.normal(ks[2], (B, DIM), dtype=jnp.float32)
    inp["node_ids"] = jax.random.randint(ks[3], (B,), 0, NUM_NODES)
    inp["ts"] = jax.random.uniform(ks[4], (B,), dtype=jnp.float32)
    inp["mem_ts"] = jax.random.uniform(ks[5], (B,), dtype=jnp.float32)
    # learned parameters
    d_in = DIM + DIM + DIM_TIME  # node_feat + edge_feat + time encoding
    inp["w_time"] = jax.random.normal(ks[6], (DIM_TIME,), dtype=jnp.float32)
    inp["b_time"] = jax.random.normal(ks[7], (DIM_TIME,), dtype=jnp.float32)
    inp["W_x"] = jax.random.normal(ks[8], (d_in, 3 * DIM), dtype=jnp.float32) * s
    inp["W_h"] = jax.random.normal(ks[9], (DIM, 3 * DIM), dtype=jnp.float32) * s
    inp["b_x"] = jnp.zeros((3 * DIM,), dtype=jnp.float32)
    inp["b_h"] = jnp.zeros((3 * DIM,), dtype=jnp.float32)
    inp["ln_gamma"] = jnp.ones((DIM,), dtype=jnp.float32)
    inp["ln_beta"] = jnp.zeros((DIM,), dtype=jnp.float32)
    inp["W_tproj"] = jax.random.normal(ks[10], (1, DIM), dtype=jnp.float32) * s
    inp["b_tproj"] = jnp.zeros((DIM,), dtype=jnp.float32)
    inp["W_src"] = jax.random.normal(ks[11], (DIM, DIM), dtype=jnp.float32) * s
    inp["W_dst"] = jax.random.normal(ks[12], (DIM, DIM), dtype=jnp.float32) * s
    inp["b_h1"] = jnp.zeros((DIM,), dtype=jnp.float32)
    inp["W_out"] = jax.random.normal(ks[13], (DIM, 1), dtype=jnp.float32) * s
    inp["b_out"] = jnp.zeros((1,), dtype=jnp.float32)
    return inp


def reference(memory, node_feat, edge_feat, node_ids, ts, mem_ts,
              w_time, b_time, W_x, W_h, b_x, b_h,
              ln_gamma, ln_beta, W_tproj, b_tproj,
              W_src, W_dst, b_h1, W_out, b_out):
    # ---- Memory gather (Memory.get) ----
    mem = jnp.take(memory, node_ids, axis=0)  # [B, DIM]
    delta = ts - mem_ts  # [B]
    # ---- time encoding for memory updater ----
    tenc = jnp.cos(delta[:, None] * w_time[None, :] + b_time[None, :])  # [B, DIM_TIME]
    # ---- RNNMemoryUpdater: GRUCell(input=[node_feat, edge_feat, tenc], hidden=mem) ----
    x = jnp.concatenate([node_feat, edge_feat, tenc], axis=1)
    gx = x @ W_x + b_x
    gh = mem @ W_h + b_h
    xr, xz, xn = jnp.split(gx, 3, axis=1)
    hr, hz, hn = jnp.split(gh, 3, axis=1)
    r = jax.nn.sigmoid(xr + hr)
    z = jax.nn.sigmoid(xz + hz)
    n = jnp.tanh(xn + r * hn)
    new_mem = (1.0 - z) * n + z * mem  # [B, DIM]
    # ---- scatter-overwrite updated memory back into the table ----
    updated_memory = memory.at[node_ids].set(new_mem)  # [NUM_NODES, DIM]
    # ---- IdentityNormLayer (LayerNorm over embeddings) ----
    mu = jnp.mean(new_mem, axis=1, keepdims=True)
    var = jnp.var(new_mem, axis=1, keepdims=True)
    h = (new_mem - mu) / jnp.sqrt(var + 1e-5) * ln_gamma + ln_beta
    # ---- JODIETimeEmbedding: h * (1 + Linear(delta_t)) ----
    h = h * (1.0 + delta[:, None] @ W_tproj + b_tproj)
    # ---- EdgePredictor (neg_samples=1) ----
    src = h[:N_POS]
    dst = h[N_POS:2 * N_POS]
    neg = h[2 * N_POS:]
    h_src = src @ W_src
    h_pos = jax.nn.relu(h_src + dst @ W_dst + b_h1)
    h_neg = jax.nn.relu(h_src + neg @ W_dst + b_h1)
    pos_score = h_pos @ W_out + b_out
    neg_score = h_neg @ W_out + b_out
    return pos_score, neg_score, updated_memory

if __name__ == "__main__":
    import jax
    _d = setup_inputs()
    print(jax.jit(kernel)(*tuple(_d.values())))

</pallas_src>

<mosaic_0001>
module attributes {stable_mosaic.version = 14 : i64} {
  func.func @_predictor_body(%arg0: memref<4096x100xf32, #tpu.memory_space<vmem>>, %arg1: memref<4096x100xf32, #tpu.memory_space<vmem>>, %arg2: memref<4096x100xf32, #tpu.memory_space<vmem>>, %arg3: memref<100x100xf32, #tpu.memory_space<vmem>>, %arg4: memref<100x100xf32, #tpu.memory_space<vmem>>, %arg5: memref<1x100xf32, #tpu.memory_space<vmem>>, %arg6: memref<100x1xf32, #tpu.memory_space<vmem>>, %arg7: memref<1x1xf32, #tpu.memory_space<vmem>>, %arg8: memref<4096x1xf32, #tpu.memory_space<vmem>>, %arg9: memref<4096x1xf32, #tpu.memory_space<vmem>>) attributes {dimension_semantics = [], scalar_prefetch = 0 : i64, scratch_operands = 0 : i64, tpu.core_type = #tpu.core_type<tc>} {
    %get3A = arith.constant 0 : index
    %get3A_0 = arith.constant 0 : index
    %get3A_1 = vector.load %arg0[%get3A, %get3A_0] : memref<4096x100xf32, #tpu.memory_space<vmem>>, vector<4096x100xf32>
    %get3A_2 = arith.constant 0 : index
    %get3A_3 = arith.constant 0 : index
    %get3A_4 = vector.load %arg3[%get3A_2, %get3A_3] : memref<100x100xf32, #tpu.memory_space<vmem>>, vector<100x100xf32>
    %dot_general3A = arith.constant dense<0.000000e+00> : vector<4096x100xf32>
    %dot_general3A_5 = tpu.matmul %get3A_1, %get3A_4, %dot_general3A {dimension_numbers = #tpu.dot_dimension_numbers<[1], [0], [0], [1], [0, 0, 1, 1], [], []>, transpose_lhs_hint = false} : vector<4096x100xf32>, vector<100x100xf32>, vector<4096x100xf32> -> vector<4096x100xf32>
    %get3A_6 = arith.constant 0 : index
    %get3A_7 = arith.constant 0 : index
    %get3A_8 = vector.load %arg1[%get3A_6, %get3A_7] : memref<4096x100xf32, #tpu.memory_space<vmem>>, vector<4096x100xf32>
    %get3A_9 = arith.constant 0 : index
    %get3A_10 = arith.constant 0 : index
    %get3A_11 = vector.load %arg4[%get3A_9, %get3A_10] : memref<100x100xf32, #tpu.memory_space<vmem>>, vector<100x100xf32>
    %dot_general3A_12 = arith.constant dense<0.000000e+00> : vector<4096x100xf32>
    %dot_general3A_13 = tpu.matmul %get3A_8, %get3A_11, %dot_general3A_12 {dimension_numbers = #tpu.dot_dimension_numbers<[1], [0], [0], [1], [0, 0, 1, 1], [], []>, transpose_lhs_hint = false} : vector<4096x100xf32>, vector<100x100xf32>, vector<4096x100xf32> -> vector<4096x100xf32>
    %add3A = arith.addf %dot_general3A_5, %dot_general3A_13 : vector<4096x100xf32>
    %get3A_14 = arith.constant 0 : index
    %get3A_15 = arith.constant 0 : index
    %get3A_16 = vector.load %arg5[%get3A_14, %get3A_15] : memref<1x100xf32, #tpu.memory_space<vmem>>, vector<1x100xf32>
    %add3A_17 = vector.broadcast %get3A_16 : vector<1x100xf32> to vector<4096x100xf32>
    %add3A_18 = arith.addf %add3A, %add3A_17 : vector<4096x100xf32>
    %max3A = arith.constant 0.000000e+00 : f32
    %max3A_19 = vector.broadcast %max3A : f32 to vector<4096x100xf32>
    %max3A_20 = arith.maximumf %add3A_18, %max3A_19 : vector<4096x100xf32>
    %get3A_21 = arith.constant 0 : index
    %get3A_22 = arith.constant 0 : index
    %get3A_23 = vector.load %arg2[%get3A_21, %get3A_22] : memref<4096x100xf32, #tpu.memory_space<vmem>>, vector<4096x100xf32>
    %get3A_24 = arith.constant 0 : index
    %get3A_25 = arith.constant 0 : index
    %get3A_26 = vector.load %arg4[%get3A_24, %get3A_25] : memref<100x100xf32, #tpu.memory_space<vmem>>, vector<100x100xf32>
    %dot_general3A_27 = arith.constant dense<0.000000e+00> : vector<4096x100xf32>
    %dot_general3A_28 = tpu.matmul %get3A_23, %get3A_26, %dot_general3A_27 {dimension_numbers = #tpu.dot_dimension_numbers<[1], [0], [0], [1], [0, 0, 1, 1], [], []>, transpose_lhs_hint = false} : vector<4096x100xf32>, vector<100x100xf32>, vector<4096x100xf32> -> vector<4096x100xf32>
    %add3A_29 = arith.addf %dot_general3A_5, %dot_general3A_28 : vector<4096x100xf32>
    %get3A_30 = arith.constant 0 : index
    %get3A_31 = arith.constant 0 : index
    %get3A_32 = vector.load %arg5[%get3A_30, %get3A_31] : memref<1x100xf32, #tpu.memory_space<vmem>>, vector<1x100xf32>
    %add3A_33 = vector.broadcast %get3A_32 : vector<1x100xf32> to vector<4096x100xf32>
    %add3A_34 = arith.addf %add3A_29, %add3A_33 : vector<4096x100xf32>
    %max3A_35 = arith.constant 0.000000e+00 : f32
    %max3A_36 = vector.broadcast %max3A_35 : f32 to vector<4096x100xf32>
    %max3A_37 = arith.maximumf %add3A_34, %max3A_36 : vector<4096x100xf32>
    %get3A_38 = arith.constant 0 : index
    %get3A_39 = arith.constant 0 : index
    %get3A_40 = vector.load %arg6[%get3A_38, %get3A_39] : memref<100x1xf32, #tpu.memory_space<vmem>>, vector<100x1xf32>
    %dot_general3A_41 = arith.constant dense<0.000000e+00> : vector<4096x1xf32>
    %dot_general3A_42 = tpu.matmul %max3A_20, %get3A_40, %dot_general3A_41 {dimension_numbers = #tpu.dot_dimension_numbers<[1], [0], [0], [1], [0, 0, 1, 1], [], []>, transpose_lhs_hint = false} : vector<4096x100xf32>, vector<100x1xf32>, vector<4096x1xf32> -> vector<4096x1xf32>
    %get3A_43 = arith.constant 0 : index
    %get3A_44 = arith.constant 0 : index
    %get3A_45 = vector.load %arg7[%get3A_43, %get3A_44] : memref<1x1xf32, #tpu.memory_space<vmem>>, vector<1x1xf32>
    %add3A_46 = vector.broadcast %get3A_45 : vector<1x1xf32> to vector<4096x1xf32>
    %add3A_47 = arith.addf %dot_general3A_42, %add3A_46 : vector<4096x1xf32>
    %swap3A = arith.constant 0 : index
    %swap3A_48 = arith.constant 0 : index
    %swap3A_49 = vector.load %arg8[%swap3A, %swap3A_48] : memref<4096x1xf32, #tpu.memory_space<vmem>>, vector<4096x1xf32>
    tpu.vector_store %arg8[%swap3A, %swap3A_48], %add3A_47 {strides = array<i32>} : memref<4096x1xf32, #tpu.memory_space<vmem>>, vector<4096x1xf32>,
    %get3A_50 = arith.constant 0 : index
    %get3A_51 = arith.constant 0 : index
    %get3A_52 = vector.load %arg6[%get3A_50, %get3A_51] : memref<100x1xf32, #tpu.memory_space<vmem>>, vector<100x1xf32>
    %dot_general3A_53 = arith.constant dense<0.000000e+00> : vector<4096x1xf32>
    %dot_general3A_54 = tpu.matmul %max3A_37, %get3A_52, %dot_general3A_53 {dimension_numbers = #tpu.dot_dimension_numbers<[1], [0], [0], [1], [0, 0, 1, 1], [], []>, transpose_lhs_hint = false} : vector<4096x100xf32>, vector<100x1xf32>, vector<4096x1xf32> -> vector<4096x1xf32>
    %get3A_55 = arith.constant 0 : index
    %get3A_56 = arith.constant 0 : index
    %get3A_57 = vector.load %arg7[%get3A_55, %get3A_56] : memref<1x1xf32, #tpu.memory_space<vmem>>, vector<1x1xf32>
    %add3A_58 = vector.broadcast %get3A_57 : vector<1x1xf32> to vector<4096x1xf32>
    %add3A_59 = arith.addf %dot_general3A_54, %add3A_58 : vector<4096x1xf32>
    %swap3A_60 = arith.constant 0 : index
    %swap3A_61 = arith.constant 0 : index
    %swap3A_62 = vector.load %arg9[%swap3A_60, %swap3A_61] : memref<4096x1xf32, #tpu.memory_space<vmem>>, vector<4096x1xf32>
    tpu.vector_store %arg9[%swap3A_60, %swap3A_61], %add3A_59 {strides = array<i32>} : memref<4096x1xf32, #tpu.memory_space<vmem>>, vector<4096x1xf32>,
    return
  }
}

</mosaic_0001>

<sc_bundles>
// kernel: gather_offload_async_start.1
scs
__scs_entry_jumppad:
0x0: {  	(pc) =	sbr.rel $0x88, $3  }
0x1: {  	(tag) =	ssettag $0x0;
	lr =	simm.s32 $0x1  }
0x2: {  	[smem:$0x3F8C] =	sst lr;
	_ =	strace $0xD0000000  }
0x3: {  	_ = 	snop  }
0x4: {  	_ = 	snop  }
0x5: {  	_ = 	snop  }
0x6: {  	_ = 	snop  }
0x7: {  	_ = 	snop  }
__scs_overlays_trampoline_lowered:
0x8: {  	[smem:$0x3F9B] =	sst s0  }
0x9: {  	[smem:$0x3F9C] =	sst s1  }
0xa: {  	[smem:$0x3F9D] =	sst s2  }
0xb: {  	[smem:$0x3F9E] =	sst s3  }
0xc: {  	[smem:$0x3F9F] =	sst s4  }
0xd: {  	[smem:$0x3FA0] =	sst s5  }
0xe: {  	[smem:$0x3FA1] =	sst s6  }
0xf: {  	[smem:$0x3FA2] =	sst s7  }
0x10: {  	[smem:$0x3FA3] =	sst s8  }
0x11: {  	[smem:$0x3FA4] =	sst s9;
	s0 =	simm.s32 @!p0 $0x0  }
0x12: {  	s1 =	sld [smem:$0x3F8A];
	s0 =	simm.s32 @p0 $0x1  }
0x13: {  	[smem:$0x3FA5] =	sst s0;
	s0 =	simm.s32 @!p1 $0x0  }
0x14: {  	s2 =	sld [smem:$0x3F89];
	s0 =	simm.s32 @p1 $0x1  }
0x15: {  	[smem:$0x3FA6] =	sst s0;
	s0 =	simm.s32 @!p2 $0x0  }
0x16: {  	s3 =	sld [smem:$0x3FDB];
	s0 =	simm.s32 @p2 $0x1  }
0x17: {  	s4 =	simm.s32 $0x1BF5;
	[smem:$0x3FA8] =	sst s0  }
0x18: {  	s0 =	sld [smem:$0x3F8B];
	_ =	swait.ge [sflag:s4], $0x0  }
0x19: {  	s7 =	sld [smem:$0x3F8C]  }
0x1a: {  	s8 =	sadd.s32 $0xFFFFE003, lr  }
0x1b: {  	s9 =	sadd.s32 $0xFFFFFEF7, lr;
	s5 =	simm.s32 $0xFFFFFFFF;
	p2 =	slt.u32 s8, $0xFFFFF086  }
0x1c: {  	p1 =	slt.u32 s9, $0xF7A;
	s5 =	simm.s32 @!p2 $0x0  }
0x1d: {  	s5 =	simm.s32 @p1 $0x1;
	p0 =	seq.s32 s7, s2  }
0x1e: {  	s7 =	smul.u32 @!p0 $0xF7A, s2;
	p2 =	seq.s32 @!p0 s5, $0x0  }
0x1f: {  	s9 =	smul.u32 $0xF7A, s1;
	s8 =	simm.s32 @!p0 $0x1BF5;
	p2 =	por !p2, p0  }
0x20: {  	[sflag:s8] =	ssyncset.s32 @!p0 $0xFFFFF086;
	s6 =	sadd.s32 @!p0 s3, s7;
	s7 =	simm.s32 @!p0 $0x108  }
0x21: {  	s3 =	sadd.s32 s3, s9;
	s6 =	sadd.s32 @!p0 $0x88, s6;
	s7 =	simm.s32 @p2 $0x1082  }
0x22: {  	[simem:s7], [sflag:s8] =	dma.local @!p0 [hbm:s6], $0xF7A  }
0x23: {  	s9 =	sor.u32 $0xD0000000, s2;
	s6 =	simm.s32 $0x108;
	_ =	swait.ge @!p0 [sflag:s8], $0x0  }
0x24: {  	s3 =	sadd.s32 $0x88, s3;
	s6 =	simm.s32 @!p1 $0x1082;
	[sflag:s4] =	ssyncset.s32 $0xFFFFF086  }
0x25: {  	[simem:s6], [sflag:s4] =	dma.local [hbm:s3], $0xF7A  }
0x26: {  	[smem:$0x3F8C] =	sst s1;
	(tag) =	ssettag s2;
	_ =	strace s9  }
0x27: {  	s1 =	sld [smem:$0x3F9C]  }
0x28: {  	s2 =	sld [smem:$0x3F9D]  }
0x29: {  	s4 =	sld [smem:$0x3F9F]  }
0x2a: {  	p0 =	seq.s32 s5, $0x0;
	s5 =	sld [smem:$0x3FA0]  }
0x2b: {  	s6 =	sld [smem:$0x3FA1]  }
0x2c: {  	s7 =	sld [smem:$0x3FA2]  }
0x2d: {  	s3 =	simm.s32 $0x108;
	s8 =	sld [smem:$0x3FA3]  }
0x2e: {  	s3 =	simm.s32 @!p0 $0x1082;
	s9 =	sld [smem:$0x3FA4]  }
0x2f: {  	lr =	sadd.s32 s0, s3;
	s0 =	sld [smem:$0x3F9B]  }
0x30: {  	s3 =	sld [smem:$0x3F9E]  }
0x31: {  	[smem:$0x3FA7] =	sst s10  }
0x32: {  	s10 =	sld [smem:$0x3FA5];
	_ =	sdelay $0x3  }
0x33: {  	p0 =	seq.s32 s10, $0x1;
	s10 =	sld [smem:$0x3FA7];
	_ =	sdelay $0x3  }
0x34: {  	[smem:$0x3FA7] =	sst s10  }
0x35: {  	s10 =	sld [smem:$0x3FA6];
	_ =	sdelay $0x3  }
0x36: {  	p1 =	seq.s32 s10, $0x1;
	s10 =	sld [smem:$0x3FA7];
	_ =	sdelay $0x3  }
0x37: {  	[smem:$0x3FA7] =	sst s10  }
0x38: {  	s10 =	sld [smem:$0x3FA8]  }
0x39: {  	_ = 	snop;
	(pc) =	sbr.ind lr, $3  }
0x3a: {  	_ = 	snop  }
0x3b: {  	_ = 	snop  }
0x3c: {  	p2 =	seq.s32 s10, $0x1;
	s10 =	sld [smem:$0x3FA7]  }
0x3d: {  	_ =	shalt  }
0x3e: {  	_ =	shalt  }
0x3f: {  	_ =	shalt  }
0x40: {  	_ =	shalt  }
0x41: {  	_ =	shalt  }
0x42: {  	_ =	shalt  }
0x43: {  	_ =	shalt  }
0x44: {  	_ =	shalt  }
0x45: {  	_ =	shalt  }
0x46: {  	_ =	shalt  }
0x47: {  	_ =	shalt  }
0x48: {  	_ =	shalt  }
0x49: {  	_ =	shalt  }
0x4a: {  	_ =	shalt  }
0x4b: {  	_ =	shalt  }
0x4c: {  	_ =	shalt  }
0x4d: {  	_ =	shalt  }
0x4e: {  	_ =	shalt  }
0x4f: {  	_ =	shalt  }
0x50: {  	_ =	shalt  }
0x51: {  	_ =	shalt  }
0x52: {  	_ =	shalt  }
0x53: {  	_ =	shalt  }
0x54: {  	_ =	shalt  }
0x55: {  	_ =	shalt  }
0x56: {  	_ =	shalt  }
0x57: {  	_ =	shalt  }
0x58: {  	_ =	shalt  }
0x59: {  	_ =	shalt  }
0x5a: {  	_ =	shalt  }
0x5b: {  	_ =	shalt  }
0x5c: {  	_ =	shalt  }
0x5d: {  	_ =	shalt  }
0x5e: {  	_ =	shalt  }
0x5f: {  	_ =	shalt  }
0x60: {  	_ =	shalt  }
0x61: {  	_ =	shalt  }
0x62: {  	_ =	shalt  }
0x63: {  	_ =	shalt  }
0x64: {  	_ =	shalt  }
0x65: {  	_ =	shalt  }
0x66: {  	_ =	shalt  }
0x67: {  	_ =	shalt  }
0x68: {  	_ =	shalt  }
0x69: {  	_ =	shalt  }
0x6a: {  	_ =	shalt  }
0x6b: {  	_ =	shalt  }
0x6c: {  	_ =	shalt  }
0x6d: {  	_ =	shalt  }
0x6e: {  	_ =	shalt  }
0x6f: {  	_ =	shalt  }
0x70: {  	_ =	shalt  }
0x71: {  	_ =	shalt  }
0x72: {  	_ =	shalt  }
0x73: {  	_ =	shalt  }
0x74: {  	_ =	shalt  }
0x75: {  	_ =	shalt  }
0x76: {  	_ =	shalt  }
0x77: {  	_ =	shalt  }
0x78: {  	_ =	shalt  }
0x79: {  	_ =	shalt  }
0x7a: {  	_ =	shalt  }
0x7b: {  	_ =	shalt  }
0x7c: {  	_ =	shalt  }
0x7d: {  	_ =	shalt  }
0x7e: {  	_ =	shalt  }
0x7f: {  	_ =	shalt  }
0x80: {  	_ =	shalt  }
0x81: {  	_ =	shalt  }
0x82: {  	_ =	shalt  }
0x83: {  	_ =	shalt  }
0x84: {  	_ =	shalt  }
0x85: {  	_ =	shalt  }
0x86: {  	_ =	shalt  }
0x87: {  	_ =	shalt  }
.Lfunc_end0:
.L_simem_size_0:
called_computation.3_lowered:
.L_overlay_start_0:
0x88: {  	s2 =	sld [smem:$0x3FD9]  }
0x89: {  	s3 =	sld [smem:$0x3FFE];
	_ =	sdelay $0x1  }
0x8a: {  	s1 =	srdreg.scid  }
0x8b: {  	s0 =	sand.u32 $0x1, s1  }
0x8c: {  	s16 =	sshll.u32 s0, $0xA;
	s2 =	sadd.s32 s3, s2  }
0x8d: {  	s2 =	sadd.s32 s2, s16  }
0x8e: {  	[smem:$0x3FB3] =	sst s2  }
0x8f: {  	_ = 	snop  }
0x90: {  	(tm) =	ssettm $0x1  }
0x91: {  	s17 =	sld [smem:$0x3FFB];
	_ =	sdelay $0x3  }
0x92: {  	_ =	strace s17  }
0x93: {  	s2 =	sld [smem:$0x3FFC];
	_ =	sdelay $0x3  }
0x94: {  	_ =	strace s2  }
0x95: {  	s2 =	sld [smem:$0x3FFD];
	_ =	sdelay $0x3  }
0x96: {  	_ =	strace s2  }
0x97: {  	_ =	strace $0x8FFFFFFF  }
0x98: {  	s18 =	sld [smem:$0x3FDB];
	_ =	sdelay $0x1  }
0x99: {  	s19 =	simm.s32 $_scs_section_size  }
0x9a: {  	s4 =	simm.s32 $_size__tile_overlayer_lowered;
	s5 =	simm.s32 $_tile_overlayer_lowered  }
0x9b: {  	s22 =	simm.s32 $0x1BFF;
	s21 =	sshll.u32 s5, $0x1;
	s2 =	sadd.s32 s19, s18  }
0x9c: {  	s6 =	simm.s32 $0x0;
	s20 =	sshll.u32 s4, $0x1;
	s4 =	sadd.s32 s21, s2  }
0x9d: {  	[timem:s6], [sflag:s22] =	dma.local [hbm:s4], s20  }
0x9e: {  	_ =	swait.ge [sflag:s22], s20  }
0x9f: {  	s3 =	ssub.s32 $0x0, s20;
	[sflag:s22] =	ssyncset.done $0x0  }
0xa0: {  	[sflag:s22] =	ssyncadd.s32 s3;
	_ =	sdelay $0x1  }
0xa1: {  	s23 =	simm.s32 $0x1B8B  }
0xa2: {  	_ =	swait.ge [sflag:s23], $0x1  }
0xa3: {  	[sflag:s23] =	ssyncset.done $0x0  }
0xa4: {  	s25 =	simm.s32 $0x1B8E;
	s24 =	sld [smem:$0x3FFE];
	[sflag:s23] =	ssyncadd.s32 $0xFFFFFFFF  }
0xa5: {  	s26 =	simm.s32 $execute0_lowered;
	[smem:$0x3FD2] =	sst s25  }
0xa6: {  	s4 =	sshll.u32 s26, $0x1;
	_ =	strace $0x80000049;
	[dreg:$0x1] =	wrdreg $0xFFFFFFFF  }
0xa7: {  	s28 =	simm.s32 $_size_execute0_lowered;
	s2 =	sadd.s32 s2, s4;
	[dreg:$0x0] =	wrdreg $0x0  }
0xa8: {  	s4 =	sshll.u32 s28, $0x1;
	[dreg:$0x2] =	wrdreg s2  }
0xa9: {  	[dreg:$0x3] =	wrdreg s4  }
0xaa: {  	[dreg:$0x4] =	wrdreg $0xC0  }
0xab: {  	_ =	task [dreg:s6], $0x5FFFF  }
0xac: {  	[dreg:$0x1] =	wrdreg $0xFFFFFFFF  }
0xad: {  	[dreg:$0x0] =	wrdreg $0x60  }
0xae: {  	[dreg:$0x2] =	wrdreg s24  }
0xaf: {  	[dreg:$0x3] =	wrdreg $0xA  }
0xb0: {  	_ =	task.clear_ibuf [dreg:s6], $0x4FFFF;
	_ =	strace $0x90000049  }
0xb1: {  	s29 =	simm.s32 $0xA;
	_ =	strace $0x8000004B  }
0xb2: {  	_ =	swait.ge [sflag:s29], $0x1  }
0xb3: {  	[sflag:s29] =	ssyncadd.s32 $0xFFFFFFFF  }
0xb4: {  	_ =	strace $0x9000004B  }
0xb5: {  	_ =	sfence  }
0xb6: {  	s30 =	sld [smem:$0x0];
	_ =	sdelay $0x2  }
0xb7: {  	s31 =	sshll.u32 s1, $0xD;
	s1 =	sshrl.u32 s1, $0x2  }
0xb8: {  	s3 =	sand.u32 $0x4000, s31;
	s1 =	sadd.s32 s1, s30  }
0xb9: {  	s0 =	sor.u32 s3, s0;
	s1 =	sshll.u32 s1, $0x11  }
0xba: {  	s0 =	sor.u32 s1, s0  }
0xbb: {  	s0 =	sadd.s32 $0x8F2B, s0  }
0xbc: {  	[sflag:s0] =	ssyncadd.remote.s32 $0x1  }
0xbd: {  	_ =	sfence.sel $0xFFFF  }
0xbe: {  	[dreg:$0x0] =	wrdreg $0xFFFFFFFF;
	(pc) =	sbr.abs _section_cstart, $3  }
0xbf: {  	[dreg:$0x1] =	wrdreg $0xFFFFFFFF  }
0xc0: {  	_ =	task.clear_ibuf [dreg:s6], $0x2FFFF;
	_ =	strace $0x9FFFFFFF  }
0xc1: {  	(tm) =	ssettm $0x7FFFFFFF  }
tec
execute0_lowered:
.L_overlay_start_1:
0x0: {  	(tag) =	ssettag $0x1  }
0x1: {  	s0 =	srdreg.scid;
	s5 =	rddreg [dreg:$0x0]  }
0x2: {  	s1 =	stileid.u32;
	s6 =	simm.s32 $0x1;
	s9 =	simm.s32 $0x1  }
0x3: {  	s10 =	simm.s32 $0x3;
	s13 =	simm.s32 $0x0;
	s2 =	sshll.u32 s0, $0x8  }
0x4: {  	s12 =	simm.s32 $0x0;
	s3 =	sshll.u32 s1, $0x9;
	s2 =	sand.u32 $0x100, s2  }
0x5: {  	s0 =	rddreg [dreg:$0x1];
	_ =	strace $0x8000004A;
	s2 =	sor.u32 s3, s2  }
0x6: {  	s4 =	sadd.s32 $0x3C00, s5;
	[sflag:s6] =	ssyncpa.u1 $0x0;
	s8 =	ssub.s32 $0x3000, s2  }
.Ltmp0:
0x7: {  	s3 =	sadd.s32 $0x18C400, s5;
	s7 =	sand.u32 $0x1F00, s8;
	(pc) =	sbr.rel .LBB2_1-.Ltmp0, $4  }
0x8: {  	s5 =	sadd.s32 $0x18B800, s5;
	s11 =	smov.u32 s2;
	p0 =	sne.s32 s7, $0x0  }
0x9: {  	s8 =	sshrl.u32 s8, $0xD;
	s7 =	simm.s32 $0x2;
	s9 =	simm.s32 @!p0 $0x0  }
0xa: {  	[sflag:s7] =	ssyncpa.u1 $0x0;
	p0 =	por $0x0, $0x0;
	s8 =	sadd.s32 s9, s8  }
0xb: {  	vm0 =	vmmov $0xffff;
	[sflag:s10] =	ssyncpa.u1 $0x0;
	s10 =	simm.s32 $0x0;
	s9 =	sadd.s32 $0x1, s8  }
.LBB2_4:
0xc: {  	v2 =	vnsel vm1, $0x0, v2  }
0xd: {  	vm1 =	vgt.s32 v0, $0x0;
	v2 =	vmin.u32 v2, $0x1869F  }
0xe: {  	v0 =	vnsel vm1, $0x0, v0  }
0xf: {  	v0 =	vmin.u32 v0, $0x1869F  }
0x10: {  	[tilespmem:s15], [sflag:$0x1] =	stream.indirect_vreg.gather [hbm4b:s3+s10], $0x1, v1, vm0, $0x4038;
	[tilespmem:$0x400] =	vst v63  }
0x11: {  	(ifvalue) =	ssetifvalue $0x7FFFFFFF  }
0x12: {  	[tilespmem:s16], [sflag:$0x1] =	stream.indirect_vreg.gather [hbm4b:s3+s10], $0x1, v2, vm0, $0x4038;
	[tilespmem:$0x400] =	vst v63  }
0x13: {  	s29 =	sadd.s32 $0x10, s16;
	(ifvalue) =	ssetifvalue $0x7FFFFFFF  }
0x14: {  	[tilespmem:s29], [sflag:$0x1] =	stream.indirect_vreg.gather [hbm4b:s3+s10], $0x1, v0, vm0, $0x4038;
	[tilespmem:$0x400] =	vst v63  }
0x15: {  	_ =	swait.ge [sflag:s6], $0x100  }
0x16: {  	s30 =	sshrl.u32 s13, $0x3;
	[sflag:s6] =	ssyncset.done $0x0  }
0x17: {  	s31 =	sand.u32 $0x7, s13;
	s15 =	sadd.s32 s5, s30;
	[sflag:s6] =	ssyncadd.s32 $0xFFFFFF00  }
0x18: {  	[hbm4b:s15+s31] =	stream.linear.scatter [tilespmem:s14], [sflag:$0x3], $0x100, $0x38;
	[tilespmem:$0x400] =	vst v63  }
.LBB2_5:
0x19: {  	s15 =	sadd.s32 $0x2000, s11  }
0x1a: {  	p2 =	sgt.s32 s15, $0x2FFF  }
0x1b: {  	s15 =	smov.u32 @p2 s2;
	p2 =	sne.s32 s12, s9  }
.Ltmp1:
0x1c: {  	p1 =	slt.u32 s12, $0x2;
	(pc) =	sbr.rel @!p2 .LBB2_6-.Ltmp1, $4  }
0x1d: {  	s14 =	simm.s32 @!p1 $0x3  }
0x1e: {  	s16 =	sadd.s32 $0x1, s12;
	_ =	swait.ge @!p1 [sflag:s14], $0x100  }
0x1f: {  	s13 =	smov.u32 s11;
	p0 =	por !p0, !p0;
	[sflag:s14] =	ssyncset.done @!p1 $0x0  }
0x20: {  	s12 =	smov.u32 s16;
	s11 =	smov.u32 s15;
	[sflag:s14] =	ssyncadd.s32 @!p1 $0xFFFFFF00  }
.LBB2_1:
0x21: {  	p1 =	sge.u32 s12, s8  }
0x22: {  	s14 =	sxor.u32 @!p1 $0xFFFFFFFF, s12  }
0x23: {  	s31 =	sadd.s32 $0xFFFFFFFF, s12;
	s15 =	sshrl.u32 @!p1 s11, $0x3;
	s14 =	sshll.u32 @!p1 s14, $0x8  }
0x24: {  	s16 =	sand.u32 @!p1 $0x7, s11;
	s15 =	sadd.s32 @!p1 s4, s15;
	s14 =	sand.u32 @!p1 $0x100, s14  }
0x25: {  	[tilespmem:s14], [sflag:$0x2] =	stream.linear.gather @!p1 [hbm4b:s15+s16], $0x100, $0x38;
	[tilespmem:$0x400] =	vst v63  }
0x26: {  	p1 =	sge.u32 s31, s8  }
.Ltmp2:
0x27: {  	_ = 	snop;
	(pc) =	sbr.rel @p1 .LBB2_5-.Ltmp2, $1  }
0x28: {  	_ =	sdelay $0x3  }
0x29: {  	s14 =	simm.s32 $0x1  }
0x2a: {  	_ =	swait.ge [sflag:s7], $0x100;
	s14 =	simm.s32 @!p0 $0x0  }
0x2b: {  	[sflag:s7] =	ssyncset.done $0x0;
	s14 =	sshll.u32 s14, $0x8  }
0x2c: {  	[sflag:s7] =	ssyncadd.s32 $0xFFFFFF00;
	(ifvalue) =	ssetifvalue $0x7FFFFFFF;
	v0 =	vld.msk [tilespmem:s14+$0x0 ss:$0x1], $0xffff;
	_ =	sdelay $0x4  }
0x2d: {  	s15 =	sadd.s32 $0x10, s14;
	vm1 =	vgt.s32 v0, $0x0  }
0x2e: {  	v2 =	vld.msk [tilespmem:s15+$0x0 ss:$0x1], $0xffff;
	v1 =	vnsel vm1, $0x0, v0  }
0x2f: {  	v1 =	vmin.u32 v1, $0x1869F;
	_ =	sdelay $0x1  }
0x30: {  	s16 =	sshll.u32 s12, $0x8;
	s18 =	simm.s32 $0x20  }
0x31: {  	s16 =	sand.u32 $0x100, s16;
	s17 =	sadd.s32 $0x10, s15;
	s15 =	sor.u32 $0x200, s14  }
0x32: {  	s14 =	sor.u32 $0x200, s16;
	s16 =	sadd.s32 $0x10, s15;
	v0 =	vld.msk [tilespmem:s17+$0x0 ss:$0x1], $0xffff;
	vm1 =	vgt.s32 v2, $0x0;
	(ifvalue) =	ssetifvalue $0x7FFFFFFF  }
.LBB2_3:
0x33: {  	[tilespmem:s15], [sflag:$0x1] =	stream.indirect_vreg.gather [hbm4b:s3+s10], $0x1, v1, vm0, $0x4038;
	[tilespmem:$0x400] =	vst v63  }
0x34: {  	s18 =	sadd.s32 $0x10, s18  }
0x35: {  	v2 =	vnsel vm1, $0x0, v2;
	p1 =	slt.u32 s18, $0xF0  }
.Ltmp3:
0x36: {  	s15 =	smov.u32 s16;
	v1 =	vmin.u32 v2, $0x1869F;
	(pc) =	sbr.rel @p1 .LBB2_3-.Ltmp3, $3  }
0x37: {  	_ =	sdelay $0x1  }
0x38: {  	s17 =	sadd.s32 $0x10, s17  }
0x39: {  	vm1 =	vgt.s32 v0, $0x0;
	s16 =	sadd.s32 $0x10, s16;
	v2 =	vmov v0;
	(ifvalue) =	ssetifvalue $0x7FFFFFFF;
	v0 =	vld.msk [tilespmem:s17+$0x0 ss:$0x1], $0xffff  }
.Ltmp4:
0x3a: {  	_ = 	snop;
	(pc) =	sbr.rel .LBB2_4-.Ltmp4, $1  }
0x3b: {  	_ =	sdelay $0x3  }
.LBB2_6:
0x3c: {  	_ =	sfence.sel $0x180000  }
0x3d: {  	s2 =	simm.s32 $0x2;
	[bflag:$0x0] =	sbarrier.arrive $0xFFFF  }
0x3e: {  	s30 =	simm.s32 $0x3;
	[sflag:s2] =	ssyncpa.u1 $0x1  }
0x3f: {  	s31 =	simm.s32 $0x1;
	[sflag:s30] =	ssyncpa.u1 $0x1  }
0x40: {  	[sflag:s31] =	ssyncpa.u1 $0x1  }
0x41: {  	p0 =	sne.s32 s1, $0x0;
	_ =	strace $0x9000004A  }
0x42: {  	s0 =	sadd.s32 @!p0 $0x100000, s0;
	[bflag:$0x2] =	sbarrier.arrive $0xFFFF  }
0x43: {  	[sflag:s0] =	ssyncadd.tile.s32 @!p0 $0x1;
	_ =	shalt  }
.Lfunc_end2:
_tile_overlayer_lowered:
.L_overlay_start_2:
0x44: {  	(tag) =	ssettag $0x2  }
0x45: {  	s0 =	rddreg [dreg:$0x0];
	s2 =	stileid.u32  }
0x46: {  	s1 =	rddreg [dreg:$0x1];
	p0 =	sne.s32 s2, $0x0  }
0x47: {  	s3 =	rddreg [dreg:$0x2];
	[bflag:$0x3] =	sbarrier.arrive $0xFFFF;
	s2 =	simm.s32 @!p0 $0x1C01  }
0x48: {  	[timem:s3], [sflag:s2] =	dma.local @!p0 [hbm:s0], s1  }
0x49: {  	s0 =	simm.s32 @!p0 $0x1  }
0x4a: {  	_ =	swait.ge @!p0 [sflag:s0], s1  }
0x4b: {  	s1 =	ssub.s32 @!p0 $0x0, s1;
	[sflag:s0] =	ssyncset.done @!p0 $0x0  }
0x4c: {  	[sflag:s0] =	ssyncadd.s32 @!p0 s1  }
0x4d: {  	[bflag:$0x3] =	sbarrier.arrive $0xFFFF  }
0x4e: {  	_ =	shalt  }

// kernel: gather_offload_async_start.2
scs
__scs_entry_jumppad:
0x0: {  	(pc) =	sbr.rel $0x88, $3  }
0x1: {  	(tag) =	ssettag $0x0;
	lr =	simm.s32 $0x1  }
0x2: {  	[smem:$0x3F8C] =	sst lr;
	_ =	strace $0xD0000000  }
0x3: {  	_ = 	snop  }
0x4: {  	_ = 	snop  }
0x5: {  	_ = 	snop  }
0x6: {  	_ = 	snop  }
0x7: {  	_ = 	snop  }
__scs_overlays_trampoline_lowered:
0x8: {  	[smem:$0x3F9B] =	sst s0  }
0x9: {  	[smem:$0x3F9C] =	sst s1  }
0xa: {  	[smem:$0x3F9D] =	sst s2  }
0xb: {  	[smem:$0x3F9E] =	sst s3  }
0xc: {  	[smem:$0x3F9F] =	sst s4  }
0xd: {  	[smem:$0x3FA0] =	sst s5  }
0xe: {  	[smem:$0x3FA1] =	sst s6  }
0xf: {  	[smem:$0x3FA2] =	sst s7  }
0x10: {  	[smem:$0x3FA3] =	sst s8  }
0x11: {  	[smem:$0x3FA4] =	sst s9;
	s0 =	simm.s32 @!p0 $0x0  }
0x12: {  	s1 =	sld [smem:$0x3F8A];
	s0 =	simm.s32 @p0 $0x1  }
0x13: {  	[smem:$0x3FA5] =	sst s0;
	s0 =	simm.s32 @!p1 $0x0  }
0x14: {  	s2 =	sld [smem:$0x3F89];
	s0 =	simm.s32 @p1 $0x1  }
0x15: {  	[smem:$0x3FA6] =	sst s0;
	s0 =	simm.s32 @!p2 $0x0  }
0x16: {  	s3 =	sld [smem:$0x3FDB];
	s0 =	simm.s32 @p2 $0x1  }
0x17: {  	s4 =	simm.s32 $0x1BF5;
	[smem:$0x3FA8] =	sst s0  }
0x18: {  	s0 =	sld [smem:$0x3F8B];
	_ =	swait.ge [sflag:s4], $0x0  }
0x19: {  	s7 =	sld [smem:$0x3F8C]  }
0x1a: {  	s8 =	sadd.s32 $0xFFFFE003, lr  }
0x1b: {  	s9 =	sadd.s32 $0xFFFFFEF7, lr;
	s5 =	simm.s32 $0xFFFFFFFF;
	p2 =	slt.u32 s8, $0xFFFFF086  }
0x1c: {  	p1 =	slt.u32 s9, $0xF7A;
	s5 =	simm.s32 @!p2 $0x0  }
0x1d: {  	s5 =	simm.s32 @p1 $0x1;
	p0 =	seq.s32 s7, s2  }
0x1e: {  	s7 =	smul.u32 @!p0 $0xF7A, s2;
	p2 =	seq.s32 @!p0 s5, $0x0  }
0x1f: {  	s9 =	smul.u32 $0xF7A, s1;
	s8 =	simm.s32 @!p0 $0x1BF5;
	p2 =	por !p2, p0  }
0x20: {  	[sflag:s8] =	ssyncset.s32 @!p0 $0xFFFFF086;
	s6 =	sadd.s32 @!p0 s3, s7;
	s7 =	simm.s32 @!p0 $0x108  }
0x21: {  	s3 =	sadd.s32 s3, s9;
	s6 =	sadd.s32 @!p0 $0x88, s6;
	s7 =	simm.s32 @p2 $0x1082  }
0x22: {  	[simem:s7], [sflag:s8] =	dma.local @!p0 [hbm:s6], $0xF7A  }
0x23: {  	s9 =	sor.u32 $0xD0000000, s2;
	s6 =	simm.s32 $0x108;
	_ =	swait.ge @!p0 [sflag:s8], $0x0  }
0x24: {  	s3 =	sadd.s32 $0x88, s3;
	s6 =	simm.s32 @!p1 $0x1082;
	[sflag:s4] =	ssyncset.s32 $0xFFFFF086  }
0x25: {  	[simem:s6], [sflag:s4] =	dma.local [hbm:s3], $0xF7A  }
0x26: {  	[smem:$0x3F8C] =	sst s1;
	(tag) =	ssettag s2;
	_ =	strace s9  }
0x27: {  	s1 =	sld [smem:$0x3F9C]  }
0x28: {  	s2 =	sld [smem:$0x3F9D]  }
0x29: {  	s4 =	sld [smem:$0x3F9F]  }
0x2a: {  	p0 =	seq.s32 s5, $0x0;
	s5 =	sld [smem:$0x3FA0]  }
0x2b: {  	s6 =	sld [smem:$0x3FA1]  }
0x2c: {  	s7 =	sld [smem:$0x3FA2]  }
0x2d: {  	s3 =	simm.s32 $0x108;
	s8 =	sld [smem:$0x3FA3]  }
0x2e: {  	s3 =	simm.s32 @!p0 $0x1082;
	s9 =	sld [smem:$0x3FA4]  }
0x2f: {  	lr =	sadd.s32 s0, s3;
	s0 =	sld [smem:$0x3F9B]  }
0x30: {  	s3 =	sld [smem:$0x3F9E]  }
0x31: {  	[smem:$0x3FA7] =	sst s10  }
0x32: {  	s10 =	sld [smem:$0x3FA5];
	_ =	sdelay $0x3  }
0x33: {  	p0 =	seq.s32 s10, $0x1;
	s10 =	sld [smem:$0x3FA7];
	_ =	sdelay $0x3  }
0x34: {  	[smem:$0x3FA7] =	sst s10  }
0x35: {  	s10 =	sld [smem:$0x3FA6];
	_ =	sdelay $0x3  }
0x36: {  	p1 =	seq.s32 s10, $0x1;
	s10 =	sld [smem:$0x3FA7];
	_ =	sdelay $0x3  }
0x37: {  	[smem:$0x3FA7] =	sst s10  }
0x38: {  	s10 =	sld [smem:$0x3FA8]  }
0x39: {  	_ = 	snop;
	(pc) =	sbr.ind lr, $3  }
0x3a: {  	_ = 	snop  }
0x3b: {  	_ = 	snop  }
0x3c: {  	p2 =	seq.s32 s10, $0x1;
	s10 =	sld [smem:$0x3FA7]  }
0x3d: {  	_ =	shalt  }
0x3e: {  	_ =	shalt  }
0x3f: {  	_ =	shalt  }
0x40: {  	_ =	shalt  }
0x41: {  	_ =	shalt  }
0x42: {  	_ =	shalt  }
0x43: {  	_ =	shalt  }
0x44: {  	_ =	shalt  }
0x45: {  	_ =	shalt  }
0x46: {  	_ =	shalt  }
0x47: {  	_ =	shalt  }
0x48: {  	_ =	shalt  }
0x49: {  	_ =	shalt  }
0x4a: {  	_ =	shalt  }
0x4b: {  	_ =	shalt  }
0x4c: {  	_ =	shalt  }
0x4d: {  	_ =	shalt  }
0x4e: {  	_ =	shalt  }
0x4f: {  	_ =	shalt  }
0x50: {  	_ =	shalt  }
0x51: {  	_ =	shalt  }
0x52: {  	_ =	shalt  }
0x53: {  	_ =	shalt  }
0x54: {  	_ =	shalt  }
0x55: {  	_ =	shalt  }
0x56: {  	_ =	shalt  }
0x57: {  	_ =	shalt  }
0x58: {  	_ =	shalt  }
0x59: {  	_ =	shalt  }
0x5a: {  	_ =	shalt  }
0x5b: {  	_ =	shalt  }
0x5c: {  	_ =	shalt  }
0x5d: {  	_ =	shalt  }
0x5e: {  	_ =	shalt  }
0x5f: {  	_ =	shalt  }
0x60: {  	_ =	shalt  }
0x61: {  	_ =	shalt  }
0x62: {  	_ =	shalt  }
0x63: {  	_ =	shalt  }
0x64: {  	_ =	shalt  }
0x65: {  	_ =	shalt  }
0x66: {  	_ =	shalt  }
0x67: {  	_ =	shalt  }
0x68: {  	_ =	shalt  }
0x69: {  	_ =	shalt  }
0x6a: {  	_ =	shalt  }
0x6b: {  	_ =	shalt  }
0x6c: {  	_ =	shalt  }
0x6d: {  	_ =	shalt  }
0x6e: {  	_ =	shalt  }
0x6f: {  	_ =	shalt  }
0x70: {  	_ =	shalt  }
0x71: {  	_ =	shalt  }
0x72: {  	_ =	shalt  }
0x73: {  	_ =	shalt  }
0x74: {  	_ =	shalt  }
0x75: {  	_ =	shalt  }
0x76: {  	_ =	shalt  }
0x77: {  	_ =	shalt  }
0x78: {  	_ =	shalt  }
0x79: {  	_ =	shalt  }
0x7a: {  	_ =	shalt  }
0x7b: {  	_ =	shalt  }
0x7c: {  	_ =	shalt  }
0x7d: {  	_ =	shalt  }
0x7e: {  	_ =	shalt  }
0x7f: {  	_ =	shalt  }
0x80: {  	_ =	shalt  }
0x81: {  	_ =	shalt  }
0x82: {  	_ =	shalt  }
0x83: {  	_ =	shalt  }
0x84: {  	_ =	shalt  }
0x85: {  	_ =	shalt  }
0x86: {  	_ =	shalt  }
0x87: {  	_ =	shalt  }
.Lfunc_end0:
.L_simem_size_0:
called_computation.4_lowered:
.L_overlay_start_0:
0x88: {  	s2 =	sld [smem:$0x3FD9]  }
0x89: {  	s3 =	sld [smem:$0x3FFE];
	_ =	sdelay $0x1  }
0x8a: {  	s1 =	srdreg.scid  }
0x8b: {  	s0 =	sand.u32 $0x1, s1  }
0x8c: {  	s14 =	sshll.u32 s0, $0xA;
	s2 =	sadd.s32 s3, s2  }
0x8d: {  	s2 =	sadd.s32 s2, s14  }
0x8e: {  	[smem:$0x3FB3] =	sst s2  }
0x8f: {  	_ = 	snop  }
0x90: {  	s2 =	sld [smem:$0x3FD0];
	_ =	sdelay $0x2  }
0x91: {  	s15 =	simm.s32 $0xB;
	s4 =	simm.s32 $0x10  }
0x92: {  	[smem:s4], [sflag:s15] =	dma.local [hbm:s2], $0x1  }
0x93: {  	_ =	swait.eq [sflag:s15], $0x1  }
0x94: {  	[sflag:s15] =	ssyncset.done $0x0  }
0x95: {  	[sflag:s15] =	ssyncadd.s32 $0xFFFFFFFF  }
0x96: {  	s16 =	sld [smem:$0x12];
	(tm) =	ssettm $0x1  }
0x97: {  	s17 =	sld [smem:$0x3FFB];
	_ =	sdelay $0x3  }
0x98: {  	_ =	strace s17  }
0x99: {  	s3 =	sld [smem:$0x3FFC];
	_ =	sdelay $0x3  }
0x9a: {  	_ =	strace s3  }
0x9b: {  	s3 =	sld [smem:$0x3FFD];
	_ =	sdelay $0x3  }
0x9c: {  	_ =	strace s3  }
0x9d: {  	_ =	strace $0x8FFFFFFF  }
0x9e: {  	s18 =	sld [smem:$0x3FDB];
	_ =	sdelay $0x1  }
0x9f: {  	s19 =	simm.s32 $_scs_section_size  }
0xa0: {  	s5 =	simm.s32 $_size__tile_overlayer_lowered;
	s6 =	simm.s32 $_tile_overlayer_lowered  }
0xa1: {  	s22 =	simm.s32 $0x1BFF;
	s21 =	sshll.u32 s6, $0x1;
	s3 =	sadd.s32 s19, s18  }
0xa2: {  	s7 =	simm.s32 $0x0;
	s20 =	sshll.u32 s5, $0x1;
	s5 =	sadd.s32 s21, s3  }
0xa3: {  	[timem:s7], [sflag:s22] =	dma.local [hbm:s5], s20  }
0xa4: {  	_ =	swait.ge [sflag:s22], s20  }
0xa5: {  	s4 =	ssub.s32 $0x0, s20;
	[sflag:s22] =	ssyncset.done $0x0  }
0xa6: {  	[sflag:s22] =	ssyncadd.s32 s4;
	_ =	sdelay $0x1  }
0xa7: {  	s23 =	simm.s32 $0x1B8B  }
0xa8: {  	_ =	swait.ge [sflag:s23], $0x1  }
0xa9: {  	[sflag:s23] =	ssyncset.done $0x0  }
0xaa: {  	s25 =	simm.s32 $0x1B8E;
	s24 =	sld [smem:$0x3FFE];
	[sflag:s23] =	ssyncadd.s32 $0xFFFFFFFF  }
0xab: {  	s26 =	simm.s32 $execute0_lowered;
	[smem:$0x3FD2] =	sst s25  }
0xac: {  	s5 =	sshll.u32 s26, $0x1;
	_ =	strace $0x8000004F;
	[dreg:$0x1] =	wrdreg $0xFFFFFFFF  }
0xad: {  	s28 =	simm.s32 $_size_execute0_lowered;
	s3 =	sadd.s32 s3, s5;
	[dreg:$0x0] =	wrdreg $0x0  }
0xae: {  	s5 =	sshll.u32 s28, $0x1;
	[dreg:$0x2] =	wrdreg s3  }
0xaf: {  	[dreg:$0x3] =	wrdreg s5  }
0xb0: {  	[dreg:$0x4] =	wrdreg $0xC0  }
0xb1: {  	_ =	task [dreg:s7], $0x5FFFF  }
0xb2: {  	[dreg:$0x1] =	wrdreg $0xFFFFFFFF  }
0xb3: {  	[dreg:$0x0] =	wrdreg $0x60  }
0xb4: {  	[dreg:$0x2] =	wrdreg s24  }
0xb5: {  	[dreg:$0x3] =	wrdreg s16  }
0xb6: {  	[dreg:$0x4] =	wrdreg $0x9  }
0xb7: {  	_ =	task.clear_ibuf [dreg:s7], $0x5FFFF;
	_ =	strace $0x9000004F  }
0xb8: {  	s29 =	simm.s32 $0x9;
	_ =	strace $0x80000051  }
0xb9: {  	_ =	swait.ge [sflag:s29], $0x1  }
0xba: {  	[sflag:s29] =	ssyncadd.s32 $0xFFFFFFFF  }
0xbb: {  	_ =	strace $0x90000051  }
0xbc: {  	_ =	sfence  }
0xbd: {  	s30 =	sld [smem:$0x0];
	_ =	sdelay $0x2  }
0xbe: {  	s31 =	sshll.u32 s1, $0xD;
	s1 =	sshrl.u32 s1, $0x2  }
0xbf: {  	s3 =	sand.u32 $0x4000, s31;
	s1 =	sadd.s32 s1, s30  }
0xc0: {  	s0 =	sor.u32 s3, s0;
	s1 =	sshll.u32 s1, $0x11  }
0xc1: {  	s0 =	sor.u32 s1, s0  }
0xc2: {  	s0 =	sadd.s32 $0x8F2B, s0  }
0xc3: {  	[sflag:s0] =	ssyncadd.remote.s32 $0x1  }
0xc4: {  	_ =	sfence.sel $0xFFFF  }
0xc5: {  	[dreg:$0x0] =	wrdreg $0xFFFFFFFF;
	(pc) =	sbr.abs _section_cstart, $3  }
0xc6: {  	[dreg:$0x1] =	wrdreg $0xFFFFFFFF  }
0xc7: {  	_ =	task.clear_ibuf [dreg:s7], $0x2FFFF;
	_ =	strace $0x9FFFFFFF  }
0xc8: {  	(tm) =	ssettm $0x7FFFFFFF  }
0xc9: {  	_ =	shalt  }
tec
execute0_lowered:
.L_overlay_start_1:
0x0: {  	(tag) =	ssettag $0x1  }
0x1: {  	s7 =	rddreg [dreg:$0x0]  }
0x2: {  	s0 =	srdreg.scid;
	s2 =	rddreg [dreg:$0x1]  }
0x3: {  	s1 =	stileid.u32;
	s5 =	simm.s32 $0x2;
	s9 =	simm.s32 $0x3  }
0x4: {  	s3 =	sshll.u32 s0, $0x4;
	s0 =	rddreg [dreg:$0x2];
	_ =	strace $0x80000050  }
.Ltmp0:
0x5: {  	s4 =	sand.u32 $0x10, s3;
	s3 =	simm.s32 $0x1;
	(pc) =	sbr.rel .LBB2_1-.Ltmp0, $4  }
0x6: {  	s12 =	simm.s32 $0x0;
	s4 =	sor.u32 s1, s4;
	[sflag:s3] =	ssyncpa.u1 $0x0  }
0x7: {  	s10 =	simm.s32 $0x0;
	s4 =	smul.u32 $0x180, s4;
	[sflag:s5] =	ssyncpa.u1 $0x0  }
0x8: {  	s6 =	sadd.s32 $0x18C400, s7;
	s7 =	sadd.s32 $0x18BE00, s7;
	[sflag:s9] =	ssyncpa.u1 $0x0  }
0x9: {  	vm0 =	vmmov $0xff;
	vm1 =	vcmask $0x3F20;
	s9 =	simm.s32 $0x180;
	s8 =	sadd.s32 $0x180, s4;
	s11 =	smov.u32 s4  }
.LBB2_10:
0xa: {  	s12 =	sshrl.u32 s11, $0x3  }
0xb: {  	s13 =	sand.u32 $0x7, s11;
	s12 =	sadd.s32 s7, s12  }
0xc: {  	[tilespmem:s9], [sflag:$0x2] =	stream.linear.gather [hbm4b:s12+s13], $0x180, $0x38;
	[tilespmem:$0x18300] =	vst v63  }
.LBB2_8:
0xd: {  	s12 =	sadd.s32 $0x180, s11  }
0xe: {  	s13 =	smov.u32 s4;
	p0 =	slt.s32 s12, s8  }
0xf: {  	s13 =	smov.u32 @p0 s12  }
0x10: {  	s10 =	sadd.s32 $0x1, s10;
	s12 =	smov.u32 s11;
	s11 =	smov.u32 s13  }
.LBB2_1:
0x11: {  	p0 =	seq.s32 s10, $0x0  }
.Ltmp1:
0x12: {  	_ = 	snop;
	(pc) =	sbr.rel @p0 .LBB2_10-.Ltmp1, $1  }
0x13: {  	_ =	sdelay $0x3  }
0x14: {  	p0 =	seq.s32 s10, $0x1  }
.Ltmp2:
0x15: {  	_ = 	snop;
	(pc) =	sbr.rel @!p0 .LBB2_9-.Ltmp2, $1  }
0x16: {  	_ =	sdelay $0x3  }
0x17: {  	_ =	swait.ge [sflag:s5], $0x180  }
0x18: {  	[sflag:s5] =	ssyncset.done $0x0  }
0x19: {  	s13 =	simm.s32 $0x0;
	[sflag:s5] =	ssyncadd.s32 $0xFFFFFE80  }
0x1a: {  	v0 =	vld.msk [tilespmem:s13+$0x180 ss:$0x1], $0xffff;
	_ =	sdelay $0x4  }
0x1b: {  	vm2 =	vgt.s32 v0, $0x0  }
0x1c: {  	v0 =	vnsel vm2, $0x0, v0  }
0x1d: {  	v0 =	vmin.u32 v0, $0x2FFF  }
0x1e: {  	v0 =	vshll.u32 v0, $0x4;
	_ =	sdelay $0x3  }
0x1f: {  	s13 =	simm.s32 $0xC300  }
0x20: {  	[tilespmem:s13], [sflag:$0x1] =	stream.indirect_vreg.gather [hbm:s6], $0x80, v0, vm0, $0x38;
	[tilespmem:$0x18300] =	vst v63  }
0x21: {  	s14 =	simm.s32 $0xC700;
	s31 =	simm.s32 $0x10  }
0x22: {  	[tilespmem:s14], [sflag:$0x1] =	stream.indirect_vreg.gather [hbm:s6], $0x80, v0, vm1, $0x38;
	[tilespmem:$0x18300] =	vst v63  }
0x23: {  	s14 =	simm.s32 $0x80;
	v0 =	vld.msk [tilespmem:s31+$0x180 ss:$0x1], $0xffff  }
.LBB2_4:
0x24: {  	p0 =	sne.s32 s14, $0x5C0;
	_ =	sdelay $0x4  }
0x25: {  	vm2 =	vgt.s32 v0, $0x0  }
0x26: {  	v0 =	vnsel vm2, $0x0, v0  }
0x27: {  	v0 =	vmin.u32 v0, $0x2FFF  }
0x28: {  	v0 =	vshll.u32 v0, $0x4;
	_ =	sdelay $0x3  }
.Ltmp3:
0x29: {  	s13 =	sadd.s32 $0x800, s13;
	(pc) =	sbr.rel @p0 .LBB2_4-.Ltmp3, $4  }
0x2a: {  	[tilespmem:s13], [sflag:$0x1] =	stream.indirect_vreg.gather [hbm:s6], $0x80, v0, vm0, $0x38;
	[tilespmem:$0x18300] =	vst v63  }
0x2b: {  	s15 =	sshra.s32 s14, $0x2;
	s16 =	sadd.s32 $0x400, s13  }
0x2c: {  	[tilespmem:s16], [sflag:$0x1] =	stream.indirect_vreg.gather [hbm:s6], $0x80, v0, vm1, $0x38;
	[tilespmem:$0x18300] =	vst v63  }
0x2d: {  	s14 =	sadd.s32 $0x40, s14;
	v0 =	vld.msk [tilespmem:s15+$0x180 ss:$0x1], $0xffff  }
0x2e: {  	_ =	sdelay $0x3  }
0x2f: {  	vm2 =	vgt.s32 v0, $0x0  }
0x30: {  	v0 =	vnsel vm2, $0x0, v0  }
0x31: {  	v0 =	vmin.u32 v0, $0x2FFF  }
0x32: {  	v0 =	vshll.u32 v0, $0x4;
	_ =	sdelay $0x3  }
0x33: {  	s13 =	sadd.s32 $0x800, s13  }
0x34: {  	[tilespmem:s13], [sflag:$0x1] =	stream.indirect_vreg.gather [hbm:s6], $0x80, v0, vm0, $0x38;
	[tilespmem:$0x18300] =	vst v63  }
0x35: {  	s13 =	sadd.s32 $0x400, s13  }
0x36: {  	[tilespmem:s13], [sflag:$0x1] =	stream.indirect_vreg.gather [hbm:s6], $0x80, v0, vm1, $0x38;
	[tilespmem:$0x18300] =	vst v63  }
0x37: {  	s12 =	sshll.u32 s12, $0x4;
	s14 =	simm.s32 $0x80;
	_ =	swait.ge [sflag:s3], $0xC000  }
0x38: {  	s15 =	simm.s32 $0xC700;
	s12 =	sadd.s32 s12, s2;
	[sflag:s3] =	ssyncset.done $0x0  }
0x39: {  	s16 =	sadd.s32 $0x0, s12;
	s13 =	simm.s32 $0xC300;
	[sflag:s3] =	ssyncadd.s32 $0xFFFF4000  }
.LBB2_6:
0x3a: {  	[hbm:s16] =	stream.linear.scatter [tilespmem:s13], [sflag:$0x3], $0x400, $0x38;
	[tilespmem:$0x18300] =	vst v63  }
0x3b: {  	s16 =	smov.u32 s14;
	s13 =	smov.u32 s15;
	p0 =	seq.s32 s14, $0x1780  }
.Ltmp4:
0x3c: {  	s14 =	sadd.s32 $0x80, s14;
	(pc) =	sbr.rel @!p0 .LBB2_6-.Ltmp4, $2  }
0x3d: {  	_ =	sdelay $0x2  }
0x3e: {  	s15 =	sadd.s32 $0x400, s15;
	s16 =	sadd.s32 s16, s12  }
.Ltmp5:
0x3f: {  	(pc) =	sbr.rel .LBB2_8-.Ltmp5, $2  }
0x40: {  	_ =	sdelay $0x2  }
0x41: {  	[hbm:s16] =	stream.linear.scatter [tilespmem:s13], [sflag:$0x3], $0x400, $0x38;
	[tilespmem:$0x18300] =	vst v63  }
.LBB2_9:
0x42: {  	s2 =	simm.s32 $0x3  }
0x43: {  	_ =	swait.ge [sflag:s2], $0xC000  }
0x44: {  	[sflag:s2] =	ssyncset.done $0x0  }
0x45: {  	[sflag:s2] =	ssyncadd.s32 $0xFFFF4000  }
0x46: {  	_ =	sfence.sel $0x180000  }
0x47: {  	s3 =	simm.s32 $0x2;
	[bflag:$0x0] =	sbarrier.arrive $0xFFFF  }
0x48: {  	[sflag:s3] =	ssyncpa.u1 $0x1  }
0x49: {  	s31 =	simm.s32 $0x1;
	[sflag:s2] =	ssyncpa.u1 $0x1  }
0x4a: {  	[sflag:s31] =	ssyncpa.u1 $0x1  }
0x4b: {  	p0 =	sne.s32 s1, $0x0;
	_ =	strace $0x90000050  }
0x4c: {  	s0 =	sadd.s32 @!p0 $0x100000, s0;
	[bflag:$0x2] =	sbarrier.arrive $0xFFFF  }
0x4d: {  	[sflag:s0] =	ssyncadd.tile.s32 @!p0 $0x1;
	_ =	shalt  }
.Lfunc_end2:
_tile_overlayer_lowered:
.L_overlay_start_2:
0x4e: {  	(tag) =	ssettag $0x2  }
0x4f: {  	s0 =	rddreg [dreg:$0x0];
	s2 =	stileid.u32  }
0x50: {  	s1 =	rddreg [dreg:$0x1];
	p0 =	sne.s32 s2, $0x0  }
0x51: {  	s3 =	rddreg [dreg:$0x2];
	[bflag:$0x3] =	sbarrier.arrive $0xFFFF;
	s2 =	simm.s32 @!p0 $0x1C01  }
0x52: {  	[timem:s3], [sflag:s2] =	dma.local @!p0 [hbm:s0], s1  }
0x53: {  	s0 =	simm.s32 @!p0 $0x1  }
0x54: {  	_ =	swait.ge @!p0 [sflag:s0], s1  }
0x55: {  	s1 =	ssub.s32 @!p0 $0x0, s1;
	[sflag:s0] =	ssyncset.done @!p0 $0x0  }
0x56: {  	[sflag:s0] =	ssyncadd.s32 @!p0 s1  }
0x57: {  	[bflag:$0x3] =	sbarrier.arrive $0xFFFF  }
0x58: {  	_ =	shalt  }

// kernel: gather_offload_async_start
scs
__scs_entry_jumppad:
0x0: {  	(pc) =	sbr.rel $0x88, $3  }
0x1: {  	(tag) =	ssettag $0x0;
	lr =	simm.s32 $0x1  }
0x2: {  	[smem:$0x3F8C] =	sst lr;
	_ =	strace $0xD0000000  }
0x3: {  	_ = 	snop  }
0x4: {  	_ = 	snop  }
0x5: {  	_ = 	snop  }
0x6: {  	_ = 	snop  }
0x7: {  	_ = 	snop  }
__scs_overlays_trampoline_lowered:
0x8: {  	[smem:$0x3F9B] =	sst s0  }
0x9: {  	[smem:$0x3F9C] =	sst s1  }
0xa: {  	[smem:$0x3F9D] =	sst s2  }
0xb: {  	[smem:$0x3F9E] =	sst s3  }
0xc: {  	[smem:$0x3F9F] =	sst s4  }
0xd: {  	[smem:$0x3FA0] =	sst s5  }
0xe: {  	[smem:$0x3FA1] =	sst s6  }
0xf: {  	[smem:$0x3FA2] =	sst s7  }
0x10: {  	[smem:$0x3FA3] =	sst s8  }
0x11: {  	[smem:$0x3FA4] =	sst s9;
	s0 =	simm.s32 @!p0 $0x0  }
0x12: {  	s1 =	sld [smem:$0x3F8A];
	s0 =	simm.s32 @p0 $0x1  }
0x13: {  	[smem:$0x3FA5] =	sst s0;
	s0 =	simm.s32 @!p1 $0x0  }
0x14: {  	s2 =	sld [smem:$0x3F89];
	s0 =	simm.s32 @p1 $0x1  }
0x15: {  	[smem:$0x3FA6] =	sst s0;
	s0 =	simm.s32 @!p2 $0x0  }
0x16: {  	s3 =	sld [smem:$0x3FDB];
	s0 =	simm.s32 @p2 $0x1  }
0x17: {  	s4 =	simm.s32 $0x1BF5;
	[smem:$0x3FA8] =	sst s0  }
0x18: {  	s0 =	sld [smem:$0x3F8B];
	_ =	swait.ge [sflag:s4], $0x0  }
0x19: {  	s7 =	sld [smem:$0x3F8C]  }
0x1a: {  	s8 =	sadd.s32 $0xFFFFE003, lr  }
0x1b: {  	s9 =	sadd.s32 $0xFFFFFEF7, lr;
	s5 =	simm.s32 $0xFFFFFFFF;
	p2 =	slt.u32 s8, $0xFFFFF086  }
0x1c: {  	p1 =	slt.u32 s9, $0xF7A;
	s5 =	simm.s32 @!p2 $0x0  }
0x1d: {  	s5 =	simm.s32 @p1 $0x1;
	p0 =	seq.s32 s7, s2  }
0x1e: {  	s7 =	smul.u32 @!p0 $0xF7A, s2;
	p2 =	seq.s32 @!p0 s5, $0x0  }
0x1f: {  	s9 =	smul.u32 $0xF7A, s1;
	s8 =	simm.s32 @!p0 $0x1BF5;
	p2 =	por !p2, p0  }
0x20: {  	[sflag:s8] =	ssyncset.s32 @!p0 $0xFFFFF086;
	s6 =	sadd.s32 @!p0 s3, s7;
	s7 =	simm.s32 @!p0 $0x108  }
0x21: {  	s3 =	sadd.s32 s3, s9;
	s6 =	sadd.s32 @!p0 $0x88, s6;
	s7 =	simm.s32 @p2 $0x1082  }
0x22: {  	[simem:s7], [sflag:s8] =	dma.local @!p0 [hbm:s6], $0xF7A  }
0x23: {  	s9 =	sor.u32 $0xD0000000, s2;
	s6 =	simm.s32 $0x108;
	_ =	swait.ge @!p0 [sflag:s8], $0x0  }
0x24: {  	s3 =	sadd.s32 $0x88, s3;
	s6 =	simm.s32 @!p1 $0x1082;
	[sflag:s4] =	ssyncset.s32 $0xFFFFF086  }
0x25: {  	[simem:s6], [sflag:s4] =	dma.local [hbm:s3], $0xF7A  }
0x26: {  	[smem:$0x3F8C] =	sst s1;
	(tag) =	ssettag s2;
	_ =	strace s9  }
0x27: {  	s1 =	sld [smem:$0x3F9C]  }
0x28: {  	s2 =	sld [smem:$0x3F9D]  }
0x29: {  	s4 =	sld [smem:$0x3F9F]  }
0x2a: {  	p0 =	seq.s32 s5, $0x0;
	s5 =	sld [smem:$0x3FA0]  }
0x2b: {  	s6 =	sld [smem:$0x3FA1]  }
0x2c: {  	s7 =	sld [smem:$0x3FA2]  }
0x2d: {  	s3 =	simm.s32 $0x108;
	s8 =	sld [smem:$0x3FA3]  }
0x2e: {  	s3 =	simm.s32 @!p0 $0x1082;
	s9 =	sld [smem:$0x3FA4]  }
0x2f: {  	lr =	sadd.s32 s0, s3;
	s0 =	sld [smem:$0x3F9B]  }
0x30: {  	s3 =	sld [smem:$0x3F9E]  }
0x31: {  	[smem:$0x3FA7] =	sst s10  }
0x32: {  	s10 =	sld [smem:$0x3FA5];
	_ =	sdelay $0x3  }
0x33: {  	p0 =	seq.s32 s10, $0x1;
	s10 =	sld [smem:$0x3FA7];
	_ =	sdelay $0x3  }
0x34: {  	[smem:$0x3FA7] =	sst s10  }
0x35: {  	s10 =	sld [smem:$0x3FA6];
	_ =	sdelay $0x3  }
0x36: {  	p1 =	seq.s32 s10, $0x1;
	s10 =	sld [smem:$0x3FA7];
	_ =	sdelay $0x3  }
0x37: {  	[smem:$0x3FA7] =	sst s10  }
0x38: {  	s10 =	sld [smem:$0x3FA8]  }
0x39: {  	_ = 	snop;
	(pc) =	sbr.ind lr, $3  }
0x3a: {  	_ = 	snop  }
0x3b: {  	_ = 	snop  }
0x3c: {  	p2 =	seq.s32 s10, $0x1;
	s10 =	sld [smem:$0x3FA7]  }
0x3d: {  	_ =	shalt  }
0x3e: {  	_ =	shalt  }
0x3f: {  	_ =	shalt  }
0x40: {  	_ =	shalt  }
0x41: {  	_ =	shalt  }
0x42: {  	_ =	shalt  }
0x43: {  	_ =	shalt  }
0x44: {  	_ =	shalt  }
0x45: {  	_ =	shalt  }
0x46: {  	_ =	shalt  }
0x47: {  	_ =	shalt  }
0x48: {  	_ =	shalt  }
0x49: {  	_ =	shalt  }
0x4a: {  	_ =	shalt  }
0x4b: {  	_ =	shalt  }
0x4c: {  	_ =	shalt  }
0x4d: {  	_ =	shalt  }
0x4e: {  	_ =	shalt  }
0x4f: {  	_ =	shalt  }
0x50: {  	_ =	shalt  }
0x51: {  	_ =	shalt  }
0x52: {  	_ =	shalt  }
0x53: {  	_ =	shalt  }
0x54: {  	_ =	shalt  }
0x55: {  	_ =	shalt  }
0x56: {  	_ =	shalt  }
0x57: {  	_ =	shalt  }
0x58: {  	_ =	shalt  }
0x59: {  	_ =	shalt  }
0x5a: {  	_ =	shalt  }
0x5b: {  	_ =	shalt  }
0x5c: {  	_ =	shalt  }
0x5d: {  	_ =	shalt  }
0x5e: {  	_ =	shalt  }
0x5f: {  	_ =	shalt  }
0x60: {  	_ =	shalt  }
0x61: {  	_ =	shalt  }
0x62: {  	_ =	shalt  }
0x63: {  	_ =	shalt  }
0x64: {  	_ =	shalt  }
0x65: {  	_ =	shalt  }
0x66: {  	_ =	shalt  }
0x67: {  	_ =	shalt  }
0x68: {  	_ =	shalt  }
0x69: {  	_ =	shalt  }
0x6a: {  	_ =	shalt  }
0x6b: {  	_ =	shalt  }
0x6c: {  	_ =	shalt  }
0x6d: {  	_ =	shalt  }
0x6e: {  	_ =	shalt  }
0x6f: {  	_ =	shalt  }
0x70: {  	_ =	shalt  }
0x71: {  	_ =	shalt  }
0x72: {  	_ =	shalt  }
0x73: {  	_ =	shalt  }
0x74: {  	_ =	shalt  }
0x75: {  	_ =	shalt  }
0x76: {  	_ =	shalt  }
0x77: {  	_ =	shalt  }
0x78: {  	_ =	shalt  }
0x79: {  	_ =	shalt  }
0x7a: {  	_ =	shalt  }
0x7b: {  	_ =	shalt  }
0x7c: {  	_ =	shalt  }
0x7d: {  	_ =	shalt  }
0x7e: {  	_ =	shalt  }
0x7f: {  	_ =	shalt  }
0x80: {  	_ =	shalt  }
0x81: {  	_ =	shalt  }
0x82: {  	_ =	shalt  }
0x83: {  	_ =	shalt  }
0x84: {  	_ =	shalt  }
0x85: {  	_ =	shalt  }
0x86: {  	_ =	shalt  }
0x87: {  	_ =	shalt  }
.Lfunc_end0:
.L_simem_size_0:
called_computation.2_lowered:
.L_overlay_start_0:
0x88: {  	s2 =	sld [smem:$0x3FD9]  }
0x89: {  	s3 =	sld [smem:$0x3FFE];
	_ =	sdelay $0x1  }
0x8a: {  	s1 =	srdreg.scid  }
0x8b: {  	s0 =	sand.u32 $0x1, s1  }
0x8c: {  	s17 =	sshll.u32 s0, $0xA;
	s2 =	sadd.s32 s3, s2  }
0x8d: {  	s2 =	sadd.s32 s2, s17  }
0x8e: {  	[smem:$0x3FB3] =	sst s2  }
0x8f: {  	_ = 	snop  }
0x90: {  	(tm) =	ssettm $0x1  }
0x91: {  	s18 =	sld [smem:$0x3FFB];
	_ =	sdelay $0x3  }
0x92: {  	_ =	strace s18  }
0x93: {  	s2 =	sld [smem:$0x3FFC];
	_ =	sdelay $0x3  }
0x94: {  	_ =	strace s2  }
0x95: {  	s2 =	sld [smem:$0x3FFD];
	_ =	sdelay $0x3  }
0x96: {  	_ =	strace s2  }
0x97: {  	_ =	strace $0x8FFFFFFF  }
0x98: {  	s19 =	sld [smem:$0x3FDB];
	_ =	sdelay $0x1  }
0x99: {  	s20 =	simm.s32 $_scs_section_size  }
0x9a: {  	s4 =	simm.s32 $_size__tile_overlayer_lowered;
	s5 =	simm.s32 $_tile_overlayer_lowered  }
0x9b: {  	s6 =	simm.s32 $0x1BFF;
	s21 =	sshll.u32 s5, $0x1;
	s3 =	sadd.s32 s20, s19  }
0x9c: {  	s22 =	simm.s32 $0x0;
	s4 =	sshll.u32 s4, $0x1;
	s5 =	sadd.s32 s21, s3  }
0x9d: {  	[timem:s22], [sflag:s6] =	dma.local [hbm:s5], s4  }
0x9e: {  	_ =	swait.ge [sflag:s6], s4  }
0x9f: {  	s4 =	ssub.s32 $0x0, s4;
	[sflag:s6] =	ssyncset.done $0x0  }
0xa0: {  	[sflag:s6] =	ssyncadd.s32 s4;
	_ =	sdelay $0x1  }
0xa1: {  	s23 =	simm.s32 $0x1B8B  }
0xa2: {  	_ =	swait.ge [sflag:s23], $0x1  }
0xa3: {  	[sflag:s23] =	ssyncset.done $0x0  }
0xa4: {  	[sflag:s23] =	ssyncadd.s32 $0xFFFFFFFF  }
0xa5: {  	s4 =	sld [smem:$0x0]  }
0xa6: {  	s5 =	sand.u32 $0xFFFFFFFE, s1  }
0xa7: {  	p0 =	sne.s32 s1, s5  }
0xa8: {  	s5 =	sshll.u32 @p0 s5, $0xE  }
0xa9: {  	s5 =	sadd.s32 @p0 $0x11B8D, s5;
	s6 =	sshll.u32 @p0 s4, $0x11  }
0xaa: {  	s5 =	sor.u32 @p0 s6, s5  }
0xab: {  	[sflag:s5] =	ssyncadd.remote.s32 @p0 $0x1;
	_ =	sdelay $0x1  }
0xac: {  	s5 =	simm.s32 @p0 $0x1B8D  }
0xad: {  	_ =	swait.eq @p0 [sflag:s5], $0x1  }
0xae: {  	[sflag:s5] =	ssyncadd.s32 @p0 $0xFFFFFFFF  }
0xaf: {  	s6 =	sshll.u32 @!p0 s1, $0xE  }
0xb0: {  	s6 =	sor.u32 @!p0 $0x4000, s6;
	s5 =	simm.s32 @!p0 $0x1B8D  }
0xb1: {  	s4 =	sshll.u32 @!p0 s4, $0x11;
	s6 =	sadd.s32 @!p0 $0x11B8D, s6;
	_ =	swait.eq @!p0 [sflag:s5], $0x1  }
0xb2: {  	s4 =	sor.u32 @!p0 s4, s6;
	[sflag:s5] =	ssyncadd.s32 @!p0 $0xFFFFFFFF  }
0xb3: {  	s25 =	simm.s32 $0x1B8E;
	s24 =	sld [smem:$0x3FFE];
	[sflag:s4] =	ssyncadd.remote.s32 @!p0 $0x1  }
0xb4: {  	s26 =	simm.s32 $execute0_lowered;
	[smem:$0x3FD2] =	sst s25  }
0xb5: {  	s5 =	sshll.u32 s26, $0x1;
	_ =	strace $0x8000004C;
	[dreg:$0x1] =	wrdreg $0xFFFFFFFF  }
0xb6: {  	s28 =	simm.s32 $_size_execute0_lowered;
	s3 =	sadd.s32 s3, s5;
	[dreg:$0x0] =	wrdreg $0x0  }
0xb7: {  	s5 =	sshll.u32 s28, $0x1;
	[dreg:$0x2] =	wrdreg s3  }
0xb8: {  	[dreg:$0x3] =	wrdreg s5  }
0xb9: {  	[dreg:$0x4] =	wrdreg $0xC0  }
0xba: {  	_ =	task [dreg:s22], $0x5FFFF  }
0xbb: {  	[dreg:$0x1] =	wrdreg $0xFFFFFFFF  }
0xbc: {  	[dreg:$0x0] =	wrdreg $0x60  }
0xbd: {  	[dreg:$0x2] =	wrdreg s24  }
0xbe: {  	[dreg:$0x3] =	wrdreg $0x9  }
0xbf: {  	_ =	task.clear_ibuf [dreg:s22], $0x4FFFF;
	_ =	strace $0x9000004C  }
0xc0: {  	s29 =	simm.s32 $0x9;
	_ =	strace $0x8000004E  }
0xc1: {  	_ =	swait.ge [sflag:s29], $0x1  }
0xc2: {  	[sflag:s29] =	ssyncadd.s32 $0xFFFFFFFF  }
0xc3: {  	_ =	strace $0x9000004E  }
0xc4: {  	_ =	sfence  }
0xc5: {  	s30 =	sld [smem:$0x0];
	_ =	sdelay $0x2  }
0xc6: {  	s31 =	sshll.u32 s1, $0xD;
	s1 =	sshrl.u32 s1, $0x2  }
0xc7: {  	s4 =	sand.u32 $0x4000, s31;
	s1 =	sadd.s32 s1, s30  }
0xc8: {  	s0 =	sor.u32 s4, s0;
	s1 =	sshll.u32 s1, $0x11  }
0xc9: {  	s0 =	sor.u32 s1, s0  }
0xca: {  	s0 =	sadd.s32 $0x8F2B, s0  }
0xcb: {  	[sflag:s0] =	ssyncadd.remote.s32 $0x1  }
0xcc: {  	_ =	sfence.sel $0xFFFF  }
0xcd: {  	[dreg:$0x0] =	wrdreg $0xFFFFFFFF;
	(pc) =	sbr.abs _section_cstart, $3  }
0xce: {  	[dreg:$0x1] =	wrdreg $0xFFFFFFFF  }
0xcf: {  	_ =	task.clear_ibuf [dreg:s22], $0x2FFFF;
	_ =	strace $0x9FFFFFFF  }
0xd0: {  	(tm) =	ssettm $0x7FFFFFFF  }
0xd1: {  	_ =	shalt  }
tec
execute0_lowered:
.L_overlay_start_1:
0x0: {  	(tag) =	ssettag $0x1  }
0x1: {  	s7 =	rddreg [dreg:$0x0]  }
0x2: {  	s1 =	srdreg.scid;
	s0 =	rddreg [dreg:$0x1]  }
0x3: {  	_ =	strace $0x8000004D;
	s3 =	simm.s32 $0x1;
	s5 =	simm.s32 $0x2  }
0x4: {  	s9 =	simm.s32 $0x3;
	s12 =	simm.s32 $0x0;
	s2 =	sshll.u32 s1, $0x4  }
.Ltmp0:
0x5: {  	s1 =	stileid.u32;
	s4 =	sand.u32 $0x10, s2;
	(pc) =	sbr.rel .LBB2_1-.Ltmp0, $4  }
0x6: {  	s10 =	simm.s32 $0x0;
	[sflag:s3] =	ssyncpa.u1 $0x0;
	s4 =	sor.u32 s1, s4  }
0x7: {  	s6 =	sadd.s32 $0x3C00, s7;
	[sflag:s5] =	ssyncpa.u1 $0x0;
	s4 =	smul.u32 $0x180, s4  }
0x8: {  	s2 =	sadd.s32 $0x4800, s7;
	s7 =	sadd.s32 $0x18F600, s7;
	[sflag:s9] =	ssyncpa.u1 $0x0  }
0x9: {  	vm0 =	vmmov $0xff;
	vm1 =	vcmask $0x3F20;
	s9 =	simm.s32 $0x180;
	s8 =	sadd.s32 $0x180, s4;
	s11 =	smov.u32 s4  }
.LBB2_10:
0xa: {  	s12 =	sshrl.u32 s11, $0x3  }
0xb: {  	s13 =	sand.u32 $0x7, s11;
	s12 =	sadd.s32 s6, s12  }
0xc: {  	[tilespmem:s9], [sflag:$0x2] =	stream.linear.gather [hbm4b:s12+s13], $0x180, $0x38;
	[tilespmem:$0x18300] =	vst v63  }
.LBB2_8:
0xd: {  	s12 =	sadd.s32 $0x180, s11  }
0xe: {  	s13 =	smov.u32 s4;
	p0 =	slt.s32 s12, s8  }
0xf: {  	s13 =	smov.u32 @p0 s12  }
0x10: {  	s10 =	sadd.s32 $0x1, s10;
	s12 =	smov.u32 s11;
	s11 =	smov.u32 s13  }
.LBB2_1:
0x11: {  	p0 =	seq.s32 s10, $0x0  }
.Ltmp1:
0x12: {  	_ = 	snop;
	(pc) =	sbr.rel @p0 .LBB2_10-.Ltmp1, $1  }
0x13: {  	_ =	sdelay $0x3  }
0x14: {  	p0 =	seq.s32 s10, $0x1  }
.Ltmp2:
0x15: {  	_ = 	snop;
	(pc) =	sbr.rel @!p0 .LBB2_9-.Ltmp2, $1  }
0x16: {  	_ =	sdelay $0x3  }
0x17: {  	_ =	swait.ge [sflag:s5], $0x180  }
0x18: {  	[sflag:s5] =	ssyncset.done $0x0  }
0x19: {  	s13 =	simm.s32 $0x0;
	[sflag:s5] =	ssyncadd.s32 $0xFFFFFE80  }
0x1a: {  	v0 =	vld.msk [tilespmem:s13+$0x180 ss:$0x1], $0xffff;
	_ =	sdelay $0x4  }
0x1b: {  	vm2 =	vgt.s32 v0, $0x0  }
0x1c: {  	v0 =	vnsel vm2, $0x0, v0  }
0x1d: {  	v0 =	vmin.u32 v0, $0x1869F  }
0x1e: {  	v0 =	vshll.u32 v0, $0x4;
	_ =	sdelay $0x3  }
0x1f: {  	s13 =	simm.s32 $0xC300  }
0x20: {  	[tilespmem:s13], [sflag:$0x1] =	stream.indirect_vreg.gather [hbm:s2], $0x80, v0, vm0, $0x38;
	[tilespmem:$0x18300] =	vst v63  }
0x21: {  	s14 =	simm.s32 $0xC700;
	s31 =	simm.s32 $0x10  }
0x22: {  	[tilespmem:s14], [sflag:$0x1] =	stream.indirect_vreg.gather [hbm:s2], $0x80, v0, vm1, $0x38;
	[tilespmem:$0x18300] =	vst v63  }
0x23: {  	s14 =	simm.s32 $0x80;
	v0 =	vld.msk [tilespmem:s31+$0x180 ss:$0x1], $0xffff  }
.LBB2_4:
0x24: {  	p0 =	sne.s32 s14, $0x5C0;
	_ =	sdelay $0x4  }
0x25: {  	vm2 =	vgt.s32 v0, $0x0  }
0x26: {  	v0 =	vnsel vm2, $0x0, v0  }
0x27: {  	v0 =	vmin.u32 v0, $0x1869F  }
0x28: {  	v0 =	vshll.u32 v0, $0x4;
	_ =	sdelay $0x3  }
.Ltmp3:
0x29: {  	s13 =	sadd.s32 $0x800, s13;
	(pc) =	sbr.rel @p0 .LBB2_4-.Ltmp3, $4  }
0x2a: {  	[tilespmem:s13], [sflag:$0x1] =	stream.indirect_vreg.gather [hbm:s2], $0x80, v0, vm0, $0x38;
	[tilespmem:$0x18300] =	vst v63  }
0x2b: {  	s15 =	sshra.s32 s14, $0x2;
	s16 =	sadd.s32 $0x400, s13  }
0x2c: {  	[tilespmem:s16], [sflag:$0x1] =	stream.indirect_vreg.gather [hbm:s2], $0x80, v0, vm1, $0x38;
	[tilespmem:$0x18300] =	vst v63  }
0x2d: {  	s14 =	sadd.s32 $0x40, s14;
	v0 =	vld.msk [tilespmem:s15+$0x180 ss:$0x1], $0xffff  }
0x2e: {  	_ =	sdelay $0x3  }
0x2f: {  	vm2 =	vgt.s32 v0, $0x0  }
0x30: {  	v0 =	vnsel vm2, $0x0, v0  }
0x31: {  	v0 =	vmin.u32 v0, $0x1869F  }
0x32: {  	v0 =	vshll.u32 v0, $0x4;
	_ =	sdelay $0x3  }
0x33: {  	s13 =	sadd.s32 $0x800, s13  }
0x34: {  	[tilespmem:s13], [sflag:$0x1] =	stream.indirect_vreg.gather [hbm:s2], $0x80, v0, vm0, $0x38;
	[tilespmem:$0x18300] =	vst v63  }
0x35: {  	s13 =	sadd.s32 $0x400, s13  }
0x36: {  	[tilespmem:s13], [sflag:$0x1] =	stream.indirect_vreg.gather [hbm:s2], $0x80, v0, vm1, $0x38;
	[tilespmem:$0x18300] =	vst v63  }
0x37: {  	s12 =	sshll.u32 s12, $0x4;
	s14 =	simm.s32 $0x80;
	_ =	swait.ge [sflag:s3], $0xC000  }
0x38: {  	s15 =	simm.s32 $0xC700;
	s12 =	sadd.s32 s12, s7;
	[sflag:s3] =	ssyncset.done $0x0  }
0x39: {  	s16 =	sadd.s32 $0x0, s12;
	s13 =	simm.s32 $0xC300;
	[sflag:s3] =	ssyncadd.s32 $0xFFFF4000  }
.LBB2_6:
0x3a: {  	[hbm:s16] =	stream.linear.scatter [tilespmem:s13], [sflag:$0x3], $0x400, $0x38;
	[tilespmem:$0x18300] =	vst v63  }
0x3b: {  	s16 =	smov.u32 s14;
	s13 =	smov.u32 s15;
	p0 =	seq.s32 s14, $0x1780  }
.Ltmp4:
0x3c: {  	s14 =	sadd.s32 $0x80, s14;
	(pc) =	sbr.rel @!p0 .LBB2_6-.Ltmp4, $2  }
0x3d: {  	_ =	sdelay $0x2  }
0x3e: {  	s15 =	sadd.s32 $0x400, s15;
	s16 =	sadd.s32 s16, s12  }
.Ltmp5:
0x3f: {  	(pc) =	sbr.rel .LBB2_8-.Ltmp5, $2  }
0x40: {  	_ =	sdelay $0x2  }
0x41: {  	[hbm:s16] =	stream.linear.scatter [tilespmem:s13], [sflag:$0x3], $0x400, $0x38;
	[tilespmem:$0x18300] =	vst v63  }
.LBB2_9:
0x42: {  	s2 =	simm.s32 $0x3  }
0x43: {  	_ =	swait.ge [sflag:s2], $0xC000  }
0x44: {  	[sflag:s2] =	ssyncset.done $0x0  }
0x45: {  	[sflag:s2] =	ssyncadd.s32 $0xFFFF4000  }
0x46: {  	_ =	sfence.sel $0x180000  }
0x47: {  	s3 =	simm.s32 $0x2;
	[bflag:$0x0] =	sbarrier.arrive $0xFFFF  }
0x48: {  	[sflag:s3] =	ssyncpa.u1 $0x1  }
0x49: {  	s31 =	simm.s32 $0x1;
	[sflag:s2] =	ssyncpa.u1 $0x1  }
0x4a: {  	[sflag:s31] =	ssyncpa.u1 $0x1  }
0x4b: {  	p0 =	sne.s32 s1, $0x0;
	_ =	strace $0x9000004D  }
0x4c: {  	s0 =	sadd.s32 @!p0 $0x100000, s0;
	[bflag:$0x2] =	sbarrier.arrive $0xFFFF  }
0x4d: {  	[sflag:s0] =	ssyncadd.tile.s32 @!p0 $0x1;
	_ =	shalt  }
.Lfunc_end2:
_tile_overlayer_lowered:
.L_overlay_start_2:
0x4e: {  	(tag) =	ssettag $0x2  }
0x4f: {  	s0 =	rddreg [dreg:$0x0];
	s2 =	stileid.u32  }
0x50: {  	s1 =	rddreg [dreg:$0x1];
	p0 =	sne.s32 s2, $0x0  }
0x51: {  	s3 =	rddreg [dreg:$0x2];
	[bflag:$0x3] =	sbarrier.arrive $0xFFFF;
	s2 =	simm.s32 @!p0 $0x1C01  }
0x52: {  	[timem:s3], [sflag:s2] =	dma.local @!p0 [hbm:s0], s1  }
0x53: {  	s0 =	simm.s32 @!p0 $0x1  }
0x54: {  	_ =	swait.ge @!p0 [sflag:s0], s1  }
0x55: {  	s1 =	ssub.s32 @!p0 $0x0, s1;
	[sflag:s0] =	ssyncset.done @!p0 $0x0  }
0x56: {  	[sflag:s0] =	ssyncadd.s32 @!p0 s1  }
0x57: {  	[bflag:$0x3] =	sbarrier.arrive $0xFFFF  }
0x58: {  	_ =	shalt  }

// kernel: scatter_offload_async_start
scs
__scs_entry_jumppad:
0x0: {  	(pc) =	sbr.rel $0x88, $3  }
0x1: {  	(tag) =	ssettag $0x0;
	lr =	simm.s32 $0x1  }
0x2: {  	[smem:$0x3F8C] =	sst lr;
	_ =	strace $0xD0000000  }
0x3: {  	_ = 	snop  }
0x4: {  	_ = 	snop  }
0x5: {  	_ = 	snop  }
0x6: {  	_ = 	snop  }
0x7: {  	_ = 	snop  }
__scs_overlays_trampoline_lowered:
0x8: {  	[smem:$0x3F9B] =	sst s0  }
0x9: {  	[smem:$0x3F9C] =	sst s1  }
0xa: {  	[smem:$0x3F9D] =	sst s2  }
0xb: {  	[smem:$0x3F9E] =	sst s3  }
0xc: {  	[smem:$0x3F9F] =	sst s4  }
0xd: {  	[smem:$0x3FA0] =	sst s5  }
0xe: {  	[smem:$0x3FA1] =	sst s6  }
0xf: {  	[smem:$0x3FA2] =	sst s7  }
0x10: {  	[smem:$0x3FA3] =	sst s8  }
0x11: {  	[smem:$0x3FA4] =	sst s9;
	s0 =	simm.s32 @!p0 $0x0  }
0x12: {  	s1 =	sld [smem:$0x3F8A];
	s0 =	simm.s32 @p0 $0x1  }
0x13: {  	[smem:$0x3FA5] =	sst s0;
	s0 =	simm.s32 @!p1 $0x0  }
0x14: {  	s2 =	sld [smem:$0x3F89];
	s0 =	simm.s32 @p1 $0x1  }
0x15: {  	[smem:$0x3FA6] =	sst s0;
	s0 =	simm.s32 @!p2 $0x0  }
0x16: {  	s3 =	sld [smem:$0x3FDB];
	s0 =	simm.s32 @p2 $0x1  }
0x17: {  	s4 =	simm.s32 $0x1BF5;
	[smem:$0x3FA8] =	sst s0  }
0x18: {  	s0 =	sld [smem:$0x3F8B];
	_ =	swait.ge [sflag:s4], $0x0  }
0x19: {  	s7 =	sld [smem:$0x3F8C]  }
0x1a: {  	s8 =	sadd.s32 $0xFFFFE003, lr  }
0x1b: {  	s9 =	sadd.s32 $0xFFFFFEF7, lr;
	s5 =	simm.s32 $0xFFFFFFFF;
	p2 =	slt.u32 s8, $0xFFFFF086  }
0x1c: {  	p1 =	slt.u32 s9, $0xF7A;
	s5 =	simm.s32 @!p2 $0x0  }
0x1d: {  	s5 =	simm.s32 @p1 $0x1;
	p0 =	seq.s32 s7, s2  }
0x1e: {  	s7 =	smul.u32 @!p0 $0xF7A, s2;
	p2 =	seq.s32 @!p0 s5, $0x0  }
0x1f: {  	s9 =	smul.u32 $0xF7A, s1;
	s8 =	simm.s32 @!p0 $0x1BF5;
	p2 =	por !p2, p0  }
0x20: {  	[sflag:s8] =	ssyncset.s32 @!p0 $0xFFFFF086;
	s6 =	sadd.s32 @!p0 s3, s7;
	s7 =	simm.s32 @!p0 $0x108  }
0x21: {  	s3 =	sadd.s32 s3, s9;
	s6 =	sadd.s32 @!p0 $0x88, s6;
	s7 =	simm.s32 @p2 $0x1082  }
0x22: {  	[simem:s7], [sflag:s8] =	dma.local @!p0 [hbm:s6], $0xF7A  }
0x23: {  	s9 =	sor.u32 $0xD0000000, s2;
	s6 =	simm.s32 $0x108;
	_ =	swait.ge @!p0 [sflag:s8], $0x0  }
0x24: {  	s3 =	sadd.s32 $0x88, s3;
	s6 =	simm.s32 @!p1 $0x1082;
	[sflag:s4] =	ssyncset.s32 $0xFFFFF086  }
0x25: {  	[simem:s6], [sflag:s4] =	dma.local [hbm:s3], $0xF7A  }
0x26: {  	[smem:$0x3F8C] =	sst s1;
	(tag) =	ssettag s2;
	_ =	strace s9  }
0x27: {  	s1 =	sld [smem:$0x3F9C]  }
0x28: {  	s2 =	sld [smem:$0x3F9D]  }
0x29: {  	s4 =	sld [smem:$0x3F9F]  }
0x2a: {  	p0 =	seq.s32 s5, $0x0;
	s5 =	sld [smem:$0x3FA0]  }
0x2b: {  	s6 =	sld [smem:$0x3FA1]  }
0x2c: {  	s7 =	sld [smem:$0x3FA2]  }
0x2d: {  	s3 =	simm.s32 $0x108;
	s8 =	sld [smem:$0x3FA3]  }
0x2e: {  	s3 =	simm.s32 @!p0 $0x1082;
	s9 =	sld [smem:$0x3FA4]  }
0x2f: {  	lr =	sadd.s32 s0, s3;
	s0 =	sld [smem:$0x3F9B]  }
0x30: {  	s3 =	sld [smem:$0x3F9E]  }
0x31: {  	[smem:$0x3FA7] =	sst s10  }
0x32: {  	s10 =	sld [smem:$0x3FA5];
	_ =	sdelay $0x3  }
0x33: {  	p0 =	seq.s32 s10, $0x1;
	s10 =	sld [smem:$0x3FA7];
	_ =	sdelay $0x3  }
0x34: {  	[smem:$0x3FA7] =	sst s10  }
0x35: {  	s10 =	sld [smem:$0x3FA6];
	_ =	sdelay $0x3  }
0x36: {  	p1 =	seq.s32 s10, $0x1;
	s10 =	sld [smem:$0x3FA7];
	_ =	sdelay $0x3  }
0x37: {  	[smem:$0x3FA7] =	sst s10  }
0x38: {  	s10 =	sld [smem:$0x3FA8]  }
0x39: {  	_ = 	snop;
	(pc) =	sbr.ind lr, $3  }
0x3a: {  	_ = 	snop  }
0x3b: {  	_ = 	snop  }
0x3c: {  	p2 =	seq.s32 s10, $0x1;
	s10 =	sld [smem:$0x3FA7]  }
0x3d: {  	_ =	shalt  }
0x3e: {  	_ =	shalt  }
0x3f: {  	_ =	shalt  }
0x40: {  	_ =	shalt  }
0x41: {  	_ =	shalt  }
0x42: {  	_ =	shalt  }
0x43: {  	_ =	shalt  }
0x44: {  	_ =	shalt  }
0x45: {  	_ =	shalt  }
0x46: {  	_ =	shalt  }
0x47: {  	_ =	shalt  }
0x48: {  	_ =	shalt  }
0x49: {  	_ =	shalt  }
0x4a: {  	_ =	shalt  }
0x4b: {  	_ =	shalt  }
0x4c: {  	_ =	shalt  }
0x4d: {  	_ =	shalt  }
0x4e: {  	_ =	shalt  }
0x4f: {  	_ =	shalt  }
0x50: {  	_ =	shalt  }
0x51: {  	_ =	shalt  }
0x52: {  	_ =	shalt  }
0x53: {  	_ =	shalt  }
0x54: {  	_ =	shalt  }
0x55: {  	_ =	shalt  }
0x56: {  	_ =	shalt  }
0x57: {  	_ =	shalt  }
0x58: {  	_ =	shalt  }
0x59: {  	_ =	shalt  }
0x5a: {  	_ =	shalt  }
0x5b: {  	_ =	shalt  }
0x5c: {  	_ =	shalt  }
0x5d: {  	_ =	shalt  }
0x5e: {  	_ =	shalt  }
0x5f: {  	_ =	shalt  }
0x60: {  	_ =	shalt  }
0x61: {  	_ =	shalt  }
0x62: {  	_ =	shalt  }
0x63: {  	_ =	shalt  }
0x64: {  	_ =	shalt  }
0x65: {  	_ =	shalt  }
0x66: {  	_ =	shalt  }
0x67: {  	_ =	shalt  }
0x68: {  	_ =	shalt  }
0x69: {  	_ =	shalt  }
0x6a: {  	_ =	shalt  }
0x6b: {  	_ =	shalt  }
0x6c: {  	_ =	shalt  }
0x6d: {  	_ =	shalt  }
0x6e: {  	_ =	shalt  }
0x6f: {  	_ =	shalt  }
0x70: {  	_ =	shalt  }
0x71: {  	_ =	shalt  }
0x72: {  	_ =	shalt  }
0x73: {  	_ =	shalt  }
0x74: {  	_ =	shalt  }
0x75: {  	_ =	shalt  }
0x76: {  	_ =	shalt  }
0x77: {  	_ =	shalt  }
0x78: {  	_ =	shalt  }
0x79: {  	_ =	shalt  }
0x7a: {  	_ =	shalt  }
0x7b: {  	_ =	shalt  }
0x7c: {  	_ =	shalt  }
0x7d: {  	_ =	shalt  }
0x7e: {  	_ =	shalt  }
0x7f: {  	_ =	shalt  }
0x80: {  	_ =	shalt  }
0x81: {  	_ =	shalt  }
0x82: {  	_ =	shalt  }
0x83: {  	_ =	shalt  }
0x84: {  	_ =	shalt  }
0x85: {  	_ =	shalt  }
0x86: {  	_ =	shalt  }
0x87: {  	_ =	shalt  }
.Lfunc_end0:
.L_simem_size_0:
called_computation_lowered:
.L_overlay_start_0:
0x88: {  	s0 =	sld [smem:$0x3FD9]  }
0x89: {  	s1 =	sld [smem:$0x3FFE];
	_ =	sdelay $0x3  }
0x8a: {  	s0 =	sadd.s32 s1, s0  }
0x8b: {  	[smem:$0x3FB3] =	sst s0  }
0x8c: {  	_ = 	snop  }
0x8d: {  	(tm) =	ssettm $0x1  }
0x8e: {  	s15 =	sld [smem:$0x3FFB];
	_ =	sdelay $0x3  }
0x8f: {  	_ =	strace s15  }
0x90: {  	s0 =	sld [smem:$0x3FFC];
	_ =	sdelay $0x3  }
0x91: {  	_ =	strace s0  }
0x92: {  	s0 =	sld [smem:$0x3FFD];
	_ =	sdelay $0x3  }
0x93: {  	_ =	strace s0  }
0x94: {  	_ =	strace $0x8FFFFFFF  }
0x95: {  	s16 =	sld [smem:$0x3FDB];
	_ =	sdelay $0x1  }
0x96: {  	s17 =	simm.s32 $_scs_section_size  }
0x97: {  	s2 =	simm.s32 $_size__tile_overlayer_lowered;
	s3 =	simm.s32 $_tile_overlayer_lowered  }
0x98: {  	s20 =	simm.s32 $0x1BFF;
	s19 =	sshll.u32 s3, $0x1;
	s0 =	sadd.s32 s17, s16  }
0x99: {  	s4 =	simm.s32 $0x0;
	s18 =	sshll.u32 s2, $0x1;
	s2 =	sadd.s32 s19, s0  }
0x9a: {  	[timem:s4], [sflag:s20] =	dma.local [hbm:s2], s18  }
0x9b: {  	_ =	swait.ge [sflag:s20], s18  }
0x9c: {  	s1 =	ssub.s32 $0x0, s18;
	[sflag:s20] =	ssyncset.done $0x0  }
0x9d: {  	[sflag:s20] =	ssyncadd.s32 s1;
	_ =	sdelay $0x1  }
0x9e: {  	s21 =	simm.s32 $0x1B8B  }
0x9f: {  	_ =	swait.ge [sflag:s21], $0x1  }
0xa0: {  	[sflag:s21] =	ssyncset.done $0x0  }
0xa1: {  	s23 =	simm.s32 $0x1B8E;
	s22 =	sld [smem:$0x3FFE];
	[sflag:s21] =	ssyncadd.s32 $0xFFFFFFFF  }
0xa2: {  	s24 =	simm.s32 $execute0_lowered;
	[smem:$0x3FD2] =	sst s23  }
0xa3: {  	s2 =	sshll.u32 s24, $0x1;
	_ =	strace $0x80000046;
	[dreg:$0x1] =	wrdreg $0xFFFFFFFF  }
0xa4: {  	s25 =	simm.s32 $_size_execute0_lowered;
	s0 =	sadd.s32 s0, s2;
	[dreg:$0x0] =	wrdreg $0x0  }
0xa5: {  	s2 =	sshll.u32 s25, $0x1;
	[dreg:$0x2] =	wrdreg s0  }
0xa6: {  	[dreg:$0x3] =	wrdreg s2  }
0xa7: {  	[dreg:$0x4] =	wrdreg $0xC0  }
0xa8: {  	_ =	task [dreg:s4], $0x5FFFF  }
0xa9: {  	[dreg:$0x1] =	wrdreg $0xFFFFFFFF  }
0xaa: {  	[dreg:$0x0] =	wrdreg $0x60  }
0xab: {  	[dreg:$0x2] =	wrdreg s22  }
0xac: {  	[dreg:$0x3] =	wrdreg $0x9  }
0xad: {  	_ =	task.clear_ibuf [dreg:s4], $0x4FFFF;
	_ =	strace $0x90000046  }
0xae: {  	s26 =	simm.s32 $0x9;
	_ =	strace $0x80000048  }
0xaf: {  	_ =	swait.ge [sflag:s26], $0x1  }
0xb0: {  	[sflag:s26] =	ssyncadd.s32 $0xFFFFFFFF  }
0xb1: {  	_ =	strace $0x90000048  }
0xb2: {  	_ =	sfence  }
0xb3: {  	s28 =	sld [smem:$0x0];
	_ =	sdelay $0x1  }
0xb4: {  	s29 =	srdreg.scid  }
0xb5: {  	s30 =	sshll.u32 s29, $0xD;
	s31 =	sshrl.u32 s29, $0x2  }
0xb6: {  	s1 =	sand.u32 $0x1, s29;
	s2 =	sand.u32 $0x4000, s30;
	s0 =	sadd.s32 s31, s28  }
0xb7: {  	s1 =	sor.u32 s2, s1;
	s0 =	sshll.u32 s0, $0x11  }
0xb8: {  	s0 =	sor.u32 s0, s1  }
0xb9: {  	s0 =	sadd.s32 $0x8F2B, s0  }
0xba: {  	[sflag:s0] =	ssyncadd.remote.s32 $0x1  }
0xbb: {  	_ =	sfence.sel $0xFFFF  }
0xbc: {  	[dreg:$0x0] =	wrdreg $0xFFFFFFFF;
	(pc) =	sbr.abs _section_cstart, $3  }
0xbd: {  	[dreg:$0x1] =	wrdreg $0xFFFFFFFF  }
0xbe: {  	_ =	task.clear_ibuf [dreg:s4], $0x2FFFF;
	_ =	strace $0x9FFFFFFF  }
0xbf: {  	(tm) =	ssettm $0x7FFFFFFF  }
tec
execute0_lowered:
.L_overlay_start_1:
0x0: {  	(tag) =	ssettag $0x1  }
0x1: {  	s0 =	rddreg [dreg:$0x0];
	_ =	strace $0x80000047;
	s3 =	simm.s32 $0x1  }
0x2: {  	v1 =	vimm.s32 $0xFFFFFFFF;
	[sflag:s3] =	ssyncpa.u1 $0x0  }
0x3: {  	[tilespmem:$0x10] =	vst v1  }
0x4: {  	v0 =	vimm.s32 $0x80000000;
	[tilespmem:$0x20] =	vst v1  }
0x5: {  	[tilespmem:$0x30] =	vst v0  }
0x6: {  	s2 =	simm.s32 $0x2;
	s26 =	stileid.u32;
	[tilespmem:$0x40] =	vst v0  }
0x7: {  	s5 =	simm.s32 $0x7;
	s7 =	simm.s32 $0x8;
	s31 =	simm.s32 $0x9;
	[tilespmem:$0x50] =	vst v0  }
0x8: {  	s14 =	simm.s32 $0x0;
	s15 =	simm.s32 $0x100;
	s19 =	simm.s32 $0x1C00;
	[tilespmem:$0x60] =	vst v1  }
0x9: {  	s20 =	simm.s32 $0xF;
	s21 =	simm.s32 $0x50;
	s22 =	simm.s32 $0xCFF;
	[tilespmem:$0x70] =	vst v1  }
0xa: {  	s23 =	simm.s32 $0x20;
	s24 =	simm.s32 $0x30;
	s25 =	simm.s32 $0x18FF;
	[tilespmem:$0x80] =	vst v1  }
0xb: {  	s30 =	simm.s32 $0x0;
	s1 =	sadd.s32 $0x18C400, s0;
	s6 =	smul.u32 $0x300, s26;
	v1 =	vimm.s32 $0x0;
	[tilespmem:$0xB0] =	vst v0  }
.Ltmp0:
0xc: {  	s29 =	simm.s32 $0x0;
	s4 =	sadd.s32 $0x18B800, s0;
	[tilespmem:$0x90] =	vst v1;
	(pc) =	sbr.rel .LBB2_1-.Ltmp0, $4  }
0xd: {  	s8 =	sadd.s32 $0x18BE00, s0;
	s10 =	sshll.u32 s26, $0x1;
	[tilespmem:$0xA0] =	vst v1;
	[sflag:s2] =	ssyncpa.u1 $0x0  }
0xe: {  	s12 =	sshllo.u32 s26, $0x1;
	s26 =	simm.s32 $0x80;
	[sflag:s5] =	ssyncpa.u1 $0x0  }
0xf: {  	vm0 =	vmmov $0xffff;
	v2 =	vlaneseq.u32;
	s11 =	sor.u32 $0x81, s10;
	s13 =	sor.u32 $0x80, s10;
	[sflag:s7] =	ssyncpa.u1 $0x0  }
0x10: {  	vm1 =	vmxor vm1, vm1;
	vm2 =	vmmov $0x1;
	vm3 =	vcmask $0x3F3C;
	s9 =	sadd.s32 $0x300, s6;
	s28 =	smov.u32 s6;
	[sflag:s31] =	ssyncpa.u1 $0x0  }
.LBB2_3:
0x11: {  	s0 =	sshrl.u32 s28, $0x3  }
0x12: {  	s2 =	sand.u32 $0x7, s28;
	s0 =	sadd.s32 s4, s0  }
0x13: {  	[tilespmem:s15], [sflag:$0x7] =	stream.linear.gather [hbm4b:s0+s2], $0x300, $0x38;
	[tilespmem:$0x1C20] =	vst v63  }
.LBB2_4:
0x14: {  	s0 =	sadd.s32 $0x300, s28  }
0x15: {  	s2 =	smov.u32 s6;
	s29 =	sadd.s32 $0x1, s29;
	p0 =	slt.s32 s0, s9  }
0x16: {  	s2 =	smov.u32 @p0 s0;
	p0 =	sne.s32 s29, $0x4  }
.Ltmp1:
0x17: {  	_ = 	snop;
	(pc) =	sbr.rel @!p0 .LBB2_13-.Ltmp1, $2  }
0x18: {  	_ =	sdelay $0x2  }
0x19: {  	s30 =	smov.u32 s28;
	s28 =	smov.u32 s2  }
.LBB2_1:
0x1a: {  	p0 =	sgt.s32 s29, $0x1  }
.Ltmp2:
0x1b: {  	_ = 	snop;
	(pc) =	sbr.rel @p0 .LBB2_11-.Ltmp2, $1  }
0x1c: {  	_ =	sdelay $0x3  }
0x1d: {  	p0 =	seq.s32 s29, $0x0  }
.Ltmp3:
0x1e: {  	_ = 	snop;
	(pc) =	sbr.rel @p0 .LBB2_3-.Ltmp3, $1  }
0x1f: {  	_ =	sdelay $0x3  }
0x20: {  	_ =	swait.ge [sflag:s5], $0x300  }
0x21: {  	[sflag:s5] =	ssyncset.done $0x0  }
0x22: {  	[sflag:s5] =	ssyncadd.s32 $0xFFFFFD00;
	(ifvalue) =	ssetifvalue $0xFFFFFFFF;
	v3 =	vld.msk [tilespmem:s15+$0x0 ss:$0x1], $0xffff;
	_ =	sdelay $0x4  }
0x23: {  	v4 =	vperm.xlane v3, v1  }
0x24: {  	vm4 =	vlt.u32 v3, $0x18800  }
0x25: {  	v3 =	vnsel vm4, $0xFFFFFFFE, v3;
	vm4 =	vlt.u32 v4, $0x18800  }
0x26: {  	[tilespmem:$0x70] =	vst v3;
	v3 =	vnsel vm4, $0xFFFFFFFE, v4  }
0x27: {  	s17 =	simm.s32 $0x3F0;
	[tilespmem:$0x80] =	vst v3  }
0x28: {  	v3 =	vld.msk [tilespmem:s17+$0x0 ss:$0x1], $0xffff;
	_ =	sdelay $0x4  }
0x29: {  	(xrf1) =	vunique.msk.u32 $0xffff, v3;
	_ =	sdelay $0xd  }
0x2a: {  	v4 =	vimm.s32 $0xFFFFFFFF;
	v5, _, _ =	vpop (xrf1)  }
0x2b: {  	vm5 =	vne.s32 v3, v4;
	vm4 =	veq.s32 v5, v2  }
0x2c: {  	vm6 =	vlt.u32 v3, $0x18800;
	vm4 =	vmand vm5, vm4  }
0x2d: {  	vm4 =	vmand vm6, vm4  }
0x2e: {  	v4 =	vnsel vm4, $0xFFFFFFFF, v3;
	_ =	sdelay $0x3  }
0x2f: {  	s0 =	simm.s32 $0xCF0;
	(ifvalue) =	ssetifvalue $0xFFFFFFFF  }
0x30: {  	v3 =	vperm.xlane v3, v1;
	[tilespmem:s0], [sflag:$0x8] =	stream.indirect_vreg.gather [hbm4b:s1+s14], $0x1, v4, vm0, $0x4038;
	v4 =	vnsel vm6, $0xFFFFFFFE, v4;
	[tilespmem:$0x1C20] =	vst v63  }
0x31: {  	s2 =	simm.s32 $0x0;
	s16 =	simm.s32 $0x3E0;
	[tilespmem:s17+$0x0] =	vst v4  }
.LBB2_6:
0x32: {  	v4 =	vld.msk [tilespmem:s16+$0x0 ss:$0x1], $0xffff;
	s2 =	sadd.s32 $0x10, s2;
	v5 =	vmov v3;
	s17 =	smov.u32 s16  }
0x33: {  	p0 =	slt.u32 s2, $0x2F0;
	_ =	sdelay $0x4  }
0x34: {  	v3 =	vperm.xlane v4, v1;
	(xrf1) =	vunique.msk.u32 $0xffff, v4;
	_ =	sdelay $0xd  }
0x35: {  	v6, _, _ =	vpop (xrf1)  }
0x36: {  	vm5 =	vne.s32 v4, v5;
	vm4 =	veq.s32 v6, v2  }
0x37: {  	vm6 =	vlt.u32 v4, $0x18800;
	vm4 =	vmand vm5, vm4  }
0x38: {  	vm4 =	vmand vm6, vm4  }
0x39: {  	v4 =	vnsel vm4, $0xFFFFFFFF, v4  }
.Ltmp4:
0x3a: {  	v5 =	vnsel vm6, $0xFFFFFFFE, v4;
	(pc) =	sbr.rel @p0 .LBB2_6-.Ltmp4, $3  }
0x3b: {  	_ =	sdelay $0x1  }
0x3c: {  	s16 =	sadd.s32 $0xFFFFFFF0, s16;
	s0 =	sadd.s32 $0xFFFFFFF0, s0;
	(ifvalue) =	ssetifvalue $0xFFFFFFFF  }
0x3d: {  	[tilespmem:s0], [sflag:$0x8] =	stream.indirect_vreg.gather [hbm4b:s1+s14], $0x1, v4, vm0, $0x4038;
	[tilespmem:s17+$0x0] =	vst v5  }
.Ltmp5:
0x3e: {  	(pc) =	sbr.rel .LBB2_4-.Ltmp5, $4  }
0x3f: {  	_ = 	snop  }
0x40: {  	s0 =	sshrl.u32 s30, $0x3  }
0x41: {  	s2 =	simm.s32 $0x1000;
	s0 =	sadd.s32 s8, s0  }
0x42: {  	[tilespmem:s2], [sflag:$0x8] =	stream.linear.gather [hbm:s0], $0x300, $0x38;
	[tilespmem:$0x1C20] =	vst v63  }
.LBB2_11:
0x43: {  	p0 =	seq.s32 s29, $0x2  }
.Ltmp6:
0x44: {  	_ = 	snop;
	(pc) =	sbr.rel @!p0 .LBB2_12-.Ltmp6, $1  }
0x45: {  	_ =	sdelay $0x3  }
0x46: {  	_ =	swait.ge [sflag:s7], $0x600  }
0x47: {  	[sflag:s7] =	ssyncset.done $0x0  }
0x48: {  	s0 =	simm.s32 $0x3FF;
	[sflag:s7] =	ssyncadd.s32 $0xFFFFFA00  }
0x49: {  	[spmem:s11] =	stream.linear.scatter [tilespmem:s0], [sflag:$0x1], $0x1, $0x38;
	[tilespmem:$0x1C20] =	vst v63  }
0x4a: {  	_ =	swait.ge [sflag:s3], $0x1  }
0x4b: {  	[sflag:s3] =	ssyncset.done $0x0  }
0x4c: {  	[sflag:s3] =	ssyncadd.s32 $0xFFFFFFFF  }
0x4d: {  	v4 =	vld [tilespmem:$0x10]  }
0x4e: {  	v5 =	vld [tilespmem:$0x70]  }
0x4f: {  	v3 =	vld [tilespmem:$0x80];
	_ =	sdelay $0x2  }
0x50: {  	(v2sf) =	vpush v4, $0x0  }
0x51: {  	(v2sf) =	vpush v5, $0x0  }
0x52: {  	(v2sf) =	vpush v3, $0x0;
	_ =	sdelay $0xc  }
0x53: {  	s18 =	spop (v2sf)  }
0x54: {  	s2 =	spop (v2sf)  }
0x55: {  	s30 =	spop (v2sf)  }
0x56: {  	p0 =	seq.s32 s18, s2;
	p1 =	seq.s32 s30, s18  }
0x57: {  	p1 =	por p0, p1  }
0x58: {  	s2 =	simm.s32 $0x10;
	v4 =	vpsel p1, $0xFFFFFFFF, v4  }
0x59: {  	[tilespmem:s2+$0x0] =	vst.msk $0x1, v4  }
0x5a: {  	v4 =	vld [tilespmem:$0x30]  }
0x5b: {  	v5 =	vld [tilespmem:$0x1000]  }
0x5c: {  	v6 =	vld [tilespmem:$0x40];
	_ =	sdelay $0x3  }
0x5d: {  	vm4 =	vmmov vm1;
	vm6 =	vmmov vm2;
	vm5 =	vgt.s32 v4, v5  }
0x5e: {  	s16 =	simm.s32 $0x1000;
	vm4 =	vmmov @p0 vm2;
	v5 =	vsel vm5, v4, v5;
	vm5 =	vgt.s32 v4, v6  }
0x5f: {  	vm6 =	vmmov @p1 vm1;
	v4 =	vsel vm5, v4, v6;
	[tilespmem:s16+$0x0] =	vst.msk vm4, v5  }
0x60: {  	[tilespmem:s19+$0x0] =	vst.msk vm6, v4  }
0x61: {  	v4 =	vld [tilespmem:$0xCF0];
	_ =	sdelay $0x4  }
0x62: {  	v4 =	vshift.insert v4, v1, s20;
	_ =	sdelay $0x1  }
0x63: {  	v5 =	vimm.s32 $0x80000000;
	[tilespmem:s21+$0x0] =	vst.msk $0x1, v4  }
0x64: {  	[tilespmem:s22+$0x0] =	vst.msk $0x1, v5  }
0x65: {  	v4 =	vld [tilespmem:$0x3F0];
	_ =	sdelay $0x4  }
0x66: {  	v4 =	vshift.insert v4, v1, s20;
	_ =	sdelay $0x1  }
0x67: {  	[tilespmem:s23+$0x0] =	vst.msk $0x1, v4  }
0x68: {  	v6 =	vld [tilespmem:s16+$0x0]  }
0x69: {  	s17 =	simm.s32 $0x100  }
0x6a: {  	v7 =	vld [tilespmem:s17+$0x0];
	_ =	sdelay $0x2  }
0x6b: {  	vm4 =	vgt.s32 v6, v5  }
0x6c: {  	v5 =	vsel vm4, v6, v5  }
0x6d: {  	vm4 =	vne.s32 v7, $0xFFFFFFFF;
	v5 =	vxor.u32 $0x80000000, v5  }
0x6e: {  	(xrf0) =	vmax.seg.scan.u32 vm4, v5  }
0x6f: {  	s18 =	simm.s32 $0xA00  }
0x70: {  	v8 =	vld [tilespmem:s18+$0x0]  }
0x71: {  	v6 =	vld [tilespmem:$0xA0];
	_ =	sdelay $0x2  }
0x72: {  	v5 =	vperm.xlane v4, v1;
	v9, _, _ =	vpop (xrf0)  }
0x73: {  	vm6 =	veq.s32 v7, v3;
	v9 =	vxor.u32 $0x80000000, v9  }
0x74: {  	vm8 =	veq.s32 v7, v5;
	vm5 =	veq.s32 v6, $0x1;
	vm7 =	vgt.s32 v9, v8  }
0x75: {  	vm8 =	vmor vm8, vm6;
	v6 =	vsel vm7, v9, v8;
	vm7 =	vgt.u32 v7, $0xFFFFFFFD  }
0x76: {  	v10 =	vld [tilespmem:$0x90];
	vm9 =	vmand vm4, vm3;
	vm4 =	vmor vm5, vm6;
	vm5 =	vmor vm8, vm7  }
0x77: {  	v8 =	vsel vm5, $0xFFFFFFFF, v7;
	_ =	sdelay $0x1  }
0x78: {  	s31 =	simm.s32 $0x1600  }
0x79: {  	s0 =	simm.s32 $0x0;
	s2 =	simm.s32 $0x1010;
	s16 =	simm.s32 $0x110;
	v11 =	vsel vm9, $0x80000000, v9;
	v6 =	vsel vm6, v9, v6  }
0x7a: {  	s17 =	simm.s32 $0x1610;
	s18 =	simm.s32 $0xA10;
	[tilespmem:s31+$0x0] =	vst v6;
	v6 =	vsel vm6, v9, v10;
	v7 =	vshift.insert v11, v0, s20;
	(ifvalue) =	ssetifvalue $0xFFFFFFFF  }
.LBB2_9:
0x7b: {  	[hbm4b:s1+s14] =	stream.indirect_vreg.scatter [tilespmem:s31], [sflag:$0x2], $0x1, v8, vm0, $0x4038;
	[tilespmem:$0x1C20] =	vst v63  }
0x7c: {  	s0 =	sadd.s32 $0x10, s0;
	s31 =	smov.u32 s17;
	v8 =	vld [tilespmem:s2+$0x0]  }
0x7d: {  	p0 =	slt.u32 s0, $0x2F0  }
0x7e: {  	v9 =	vld [tilespmem:s16+$0x0];
	_ =	sdelay $0x2  }
0x7f: {  	vm5 =	vgt.s32 v8, v7  }
0x80: {  	v7 =	vsel vm5, v8, v7  }
0x81: {  	vm5 =	vne.s32 v9, $0xFFFFFFFF;
	v7 =	vxor.u32 $0x80000000, v7  }
0x82: {  	(xrf0) =	vmax.seg.scan.u32 vm5, v7;
	_ =	sdelay $0x2  }
0x83: {  	v7 =	vld [tilespmem:s18+$0x0];
	_ =	sdelay $0x1  }
0x84: {  	vm6 =	veq.s32 v9, v3;
	vm7 =	veq.s32 v9, v5  }
0x85: {  	vm8 =	vgt.u32 v9, $0xFFFFFFFD;
	vm4 =	vmor vm4, vm6;
	vm7 =	vmor vm7, vm6;
	v8, _, _ =	vpop (xrf0)  }
0x86: {  	vm5 =	vmand vm5, vm3;
	vm7 =	vmor vm7, vm8;
	v10 =	vxor.u32 $0x80000000, v8  }
.Ltmp7:
0x87: {  	v8 =	vsel vm7, $0xFFFFFFFF, v9;
	vm7 =	vgt.s32 v10, v7;
	v9 =	vsel vm5, $0x80000000, v10;
	(pc) =	sbr.rel @p0 .LBB2_9-.Ltmp7, $4  }
0x88: {  	v6 =	vsel vm6, v10, v6;
	v11 =	vsel vm7, v10, v7;
	v7 =	vshift.insert v9, v0, s20  }
0x89: {  	v9 =	vsel vm6, v10, v11  }
0x8a: {  	s2 =	sadd.s32 $0x10, s2;
	s16 =	sadd.s32 $0x10, s16;
	[tilespmem:s17+$0x0] =	vst v9  }
0x8b: {  	s18 =	sadd.s32 $0x10, s18;
	s17 =	sadd.s32 $0x10, s17;
	(ifvalue) =	ssetifvalue $0xFFFFFFFF  }
0x8c: {  	_ =	sdelay $0x3  }
0x8d: {  	[hbm4b:s1+s14] =	stream.indirect_vreg.scatter [tilespmem:s31], [sflag:$0x2], $0x1, v8, vm0, $0x4038;
	[tilespmem:$0x1C20] =	vst v63  }
0x8e: {  	v3 =	vld [tilespmem:$0x18F0];
	_ =	sdelay $0x4  }
0x8f: {  	v3 =	vshift.insert v3, v1, s20;
	_ =	sdelay $0x1  }
0x90: {  	[tilespmem:s24+$0x0] =	vst.msk $0x1, v3  }
0x91: {  	v3 =	vsel vm4, $0x1, v1;
	[tilespmem:$0x90] =	vst v6  }
0x92: {  	[tilespmem:$0xA0] =	vst v3  }
0x93: {  	[spmem:s12] =	stream.linear.scatter [tilespmem:s25], [sflag:$0x1], $0x1, $0x38;
	[tilespmem:$0x1C20] =	vst v63  }
0x94: {  	v3 =	vmctz.xlane vm4;
	_ =	swait.ge [sflag:s3], $0x1  }
0x95: {  	(v2sf) =	vpush v4, $0x0  }
0x96: {  	(v2sf) =	vpush v3, $0x0;
	_ =	sdelay $0xd  }
0x97: {  	s0 =	spop (v2sf)  }
0x98: {  	s2 =	spop (v2sf)  }
0x99: {  	[sflag:s3] =	ssyncset.done $0x0;
	p0 =	sne.s32 s30, s0;
	p1 =	slt.s32 s2, $0xF  }
0x9a: {  	[sflag:s3] =	ssyncadd.s32 $0xFFFFFFFF;
	v3 =	vimm.s32 @!p0 $0xFFFFFFFF;
	s2 =	simm.s32 @!p1 $0xF  }
0x9b: {  	[tilespmem:$0x80] =	vst @!p0 v3;
	s31 =	sadd.s32 $0x90, s2  }
0x9c: {  	[spmem:s10] =	stream.linear.scatter [tilespmem:s31], [sflag:$0x1], $0x1, $0x38;
	[tilespmem:$0x1C20] =	vst v63  }
0x9d: {  	_ =	swait.ge [sflag:s3], $0x1  }
0x9e: {  	[sflag:s3] =	ssyncset.done $0x0  }
0x9f: {  	[sflag:s3] =	ssyncadd.s32 $0xFFFFFFFF  }
0xa0: {  	[spmem:s13] =	stream.linear.scatter [tilespmem:s26], [sflag:$0x1], $0x1, $0x38;
	[tilespmem:$0x1C20] =	vst v63  }
0xa1: {  	_ =	swait.ge [sflag:s3], $0x1  }
0xa2: {  	[sflag:s3] =	ssyncset.done $0x0  }
0xa3: {  	[sflag:s3] =	ssyncadd.s32 $0xFFFFFFFF;
	(ifvalue) =	ssetifvalue $0xFFFFFFFF;
	v3 =	vld [tilespmem:$0x10];
	_ =	sdelay $0x3  }
.Ltmp8:
0xa4: {  	_ = 	snop;
	(pc) =	sbr.rel .LBB2_4-.Ltmp8, $3  }
0xa5: {  	_ =	sdelay $0x1  }
0xa6: {  	(ifvalue) =	ssetifvalue $0xFFFFFFFF  }
0xa7: {  	[hbm4b:s1+s14] =	stream.indirect_vreg.scatter [tilespmem:s19], [sflag:$0x9], $0x1, v3, vm0, $0x4038;
	[tilespmem:$0x1C20] =	vst v63  }
.LBB2_12:
0xa8: {  	s0 =	simm.s32 $0x2  }
0xa9: {  	_ =	swait.ge [sflag:s0], $0x300  }
0xaa: {  	[sflag:s0] =	ssyncset.done $0x0  }
0xab: {  	s31 =	simm.s32 $0x9;
	[sflag:s0] =	ssyncadd.s32 $0xFFFFFD00  }
0xac: {  	_ =	swait.ge [sflag:s31], $0x10  }
0xad: {  	[sflag:s31] =	ssyncset.done $0x0  }
0xae: {  	[sflag:s31] =	ssyncadd.s32 $0xFFFFFFF0  }
.LBB2_13:
0xaf: {  	_ =	sfence.sel $0x180000  }
0xb0: {  	s0 =	simm.s32 $0x7;
	[bflag:$0x0] =	sbarrier.arrive $0xFFFF  }
0xb1: {  	s26 =	simm.s32 $0x8;
	[sflag:s0] =	ssyncpa.u1 $0x1  }
0xb2: {  	s28 =	simm.s32 $0x9;
	[sflag:s26] =	ssyncpa.u1 $0x1  }
0xb3: {  	[sflag:s28] =	ssyncpa.u1 $0x1  }
0xb4: {  	_ =	sfence.stream.spmem  }
0xb5: {  	s29 =	simm.s32 $0x3;
	[bflag:$0x0] =	sbarrier.arrive $0xFFFF  }
0xb6: {  	s30 =	simm.s32 $0x4;
	[sflag:s29] =	ssyncpa.u1 $0x1  }
0xb7: {  	s31 =	simm.s32 $0x3C;
	s2 =	stileid.u32;
	[sflag:s30] =	ssyncpa.u1 $0x1  }
0xb8: {  	p0 =	sne.s32 s2, $0x0;
	[sflag:s31] =	ssyncpa.u1 $0x1  }
0xb9: {  	s0 =	simm.s32 @p0 $0x1;
	_ =	sfence @p0  }
0xba: {  	[sflag:s0] =	ssyncpa.u1 @p0 $0x1;
	s0 =	simm.s32 @p0 $0x2  }
0xbb: {  	[sflag:s0] =	ssyncpa.u1 @p0 $0x1  }
0xbc: {  	_ =	strace @p0 $0x90000047  }
0xbd: {  	[bflag:$0x2] =	sbarrier.arrive @p0 $0xFFFF  }
0xbe: {  	_ =	shalt @p0  }
.LBB2_14:
0xbf: {  	_ =	sfence.stream.spmem;
	s0 =	simm.s32 $0x5  }
0xc0: {  	s2 =	simm.s32 $0x80;
	s3 =	simm.s32 $0xC0;
	[sflag:s0] =	ssyncpa.u1 $0x0  }
0xc1: {  	[tilespmem:s3], [sflag:$0x5] =	stream.linear.gather [spmem:s2], $0x20, $0x38;
	[tilespmem:$0x1C20] =	vst v63  }
0xc2: {  	s30 =	simm.s32 $0xE0;
	s2 =	simm.s32 $0x0  }
0xc3: {  	[tilespmem:s30], [sflag:$0x5] =	stream.linear.gather [spmem:s2], $0x20, $0x38;
	[tilespmem:$0x1C20] =	vst v63  }
.Ltmp9:
0xc4: {  	_ = 	snop;
	(pc) =	sbr.rel .LBB2_15-.Ltmp9, $4  }
0xc5: {  	_ =	swait.ge [sflag:s0], $0x40  }
0xc6: {  	[sflag:s0] =	ssyncset.done $0x0  }
0xc7: {  	s31 =	simm.s32 $0x6;
	[sflag:s0] =	ssyncadd.s32 $0xFFFFFFC0  }
0xc8: {  	s3 =	simm.s32 $0x0;
	[sflag:s31] =	ssyncpa.u1 $0x0  }
.LBB2_20:
0xc9: {  	p0 =	sgt.u32 s4, $0x187FF  }
0xca: {  	s0 =	sshrl.u32 @!p0 s4, $0x3  }
0xcb: {  	s4 =	sand.u32 @!p0 $0x7, s4;
	s5 =	simm.s32 @!p0 $0xB0;
	s0 =	sadd.s32 @!p0 s1, s0  }
0xcc: {  	[tilespmem:s5], [sflag:$0x6] =	stream.linear.gather @!p0 [hbm4b:s0+s4], $0x1, $0x38;
	[tilespmem:$0x1C20] =	vst v63  }
0xcd: {  	s0 =	simm.s32 @!p0 $0x6  }
0xce: {  	_ =	swait.ge @!p0 [sflag:s0], $0x1  }
0xcf: {  	[sflag:s0] =	ssyncset.done @!p0 $0x0  }
0xd0: {  	[sflag:s0] =	ssyncadd.s32 @!p0 $0xFFFFFFFF  }
0xd1: {  	v1 =	vld.msk @!p0 [tilespmem:$0xB0], $0x1  }
0xd2: {  	v2 =	vld.msk @!p0 [tilespmem:s3+$0xE0], $0x1;
	_ =	sdelay $0x4  }
0xd3: {  	vm0 =	vgt.s32 @!p0 v2, v1  }
0xd4: {  	v1 =	vsel @!p0 vm0, v2, v1  }
0xd5: {  	[tilespmem:s3+$0xE0] =	vst.msk @!p0 $0x1, v1  }
0xd6: {  	[tilespmem:s2+$0xC0] =	vst.msk $0x1, v0  }
0xd7: {  	v0 =	vld.msk [tilespmem:s3+$0xE0], $0x1;
	_ =	sdelay $0x4  }
0xd8: {  	[tilespmem:s2+$0xE0] =	vst.msk $0x1, v0;
	s2 =	sadd.s32 $0x1, s2  }
.LBB2_22:
0xd9: {  	s3 =	sadd.s32 $0x1, s3  }
0xda: {  	p0 =	sne.s32 s3, $0x20  }
.Ltmp10:
0xdb: {  	_ = 	snop;
	(pc) =	sbr.rel @!p0 .LBB2_23-.Ltmp10, $1  }
0xdc: {  	_ =	sdelay $0x3  }
.LBB2_15:
0xdd: {  	v0 =	vld.msk [tilespmem:s3+$0xC0], $0x1;
	_ =	sdelay $0x4  }
0xde: {  	(v2sf) =	vpush v0, $0x0;
	_ =	sdelay $0xe  }
0xdf: {  	s4 =	spop (v2sf)  }
0xe0: {  	p0 =	seq.s32 s4, $0xFFFFFFFF  }
.Ltmp11:
0xe1: {  	_ = 	snop;
	(pc) =	sbr.rel @p0 .LBB2_22-.Ltmp11, $1  }
0xe2: {  	_ =	sdelay $0x3  }
0xe3: {  	p0 =	slt.s32 s2, $0x1  }
.Ltmp12:
0xe4: {  	_ = 	snop;
	(pc) =	sbr.rel @p0 .LBB2_20-.Ltmp12, $1  }
0xe5: {  	_ =	sdelay $0x3  }
0xe6: {  	s0 =	simm.s32 $0xC0;
	p0 =	por $0x0, $0x0  }
0xe7: {  	v1 =	vld.msk @!p0 [tilespmem:s0+$0x0], $0x1;
	_ =	sdelay $0x4  }
0xe8: {  	(v2sf) =	vpush @!p0 v1, $0x0;
	_ =	sdelay $0xd  }
0xe9: {  	p2 =	sne.s32 s2, $0x1  }
.Ltmp13:
0xea: {  	s5 =	spop @!p0 (v2sf);
	(pc) =	sbr.rel @!p2 .LBB2_19-.Ltmp13, $4  }
0xeb: {  	p1 =	seq.s32 @!p0 s4, s5  }
0xec: {  	s5 =	simm.s32 $0x0;
	p1 =	por !p1, p0  }
0xed: {  	s7 =	simm.s32 $0xFFFFFFFF;
	s5 =	simm.s32 @p1 $0xFFFFFFFF  }
0xee: {  	s6 =	simm.s32 $0x1;
	s5 =	smov.u32 @p0 s7  }
.LBB2_18:
0xef: {  	s7 =	smov.u32 s5;
	p0 =	sne.s32 s5, $0xFFFFFFFF  }
0xf0: {  	s0 =	sadd.s32 $0x1, s0;
	s5 =	smov.u32 s6;
	s6 =	sadd.s32 $0x1, s6  }
0xf1: {  	p1 =	sne.s32 s2, s6;
	v1 =	vld.msk @!p0 [tilespmem:s0+$0x0], $0x1;
	_ =	sdelay $0x4  }
0xf2: {  	(v2sf) =	vpush @!p0 v1, $0x0;
	_ =	sdelay $0xe  }
.Ltmp14:
0xf3: {  	s8 =	spop @!p0 (v2sf);
	(pc) =	sbr.rel @p1 .LBB2_18-.Ltmp14, $4  }
0xf4: {  	p2 =	seq.s32 @!p0 s4, s8  }
0xf5: {  	p2 =	por !p2, p0  }
0xf6: {  	s5 =	simm.s32 @p2 $0xFFFFFFFF  }
0xf7: {  	s5 =	smov.u32 @p0 s7  }
.LBB2_19:
0xf8: {  	p0 =	sne.s32 s5, $0xFFFFFFFF  }
.Ltmp15:
0xf9: {  	_ = 	snop;
	(pc) =	sbr.rel @!p0 .LBB2_20-.Ltmp15, $1  }
0xfa: {  	_ =	sdelay $0x3  }
0xfb: {  	v0 =	vld.msk [tilespmem:s3+$0xE0], $0x1  }
0xfc: {  	v1 =	vld.msk [tilespmem:s5+$0xE0], $0x1;
	_ =	sdelay $0x2  }
.Ltmp16:
0xfd: {  	_ = 	snop;
	(pc) =	sbr.rel .LBB2_22-.Ltmp16, $4  }
0xfe: {  	_ = 	snop  }
0xff: {  	vm0 =	vgt.s32 v1, v0  }
0x100: {  	v0 =	vsel vm0, v1, v0  }
0x101: {  	[tilespmem:s5+$0xE0] =	vst.msk $0x1, v0  }
.LBB2_23:
0x102: {  	p0 =	slt.s32 s2, $0x1  }
.Ltmp17:
0x103: {  	_ = 	snop;
	(pc) =	sbr.rel @p0 .LBB2_27-.Ltmp17, $3  }
0x104: {  	_ =	sdelay $0x1  }
0x105: {  	s0 =	simm.s32 $0x6  }
0x106: {  	[sflag:s0] =	ssyncpa.u1 $0x1;
	s0 =	simm.s32 $0x0  }
0x107: {  	s3 =	simm.s32 $0xC0  }
0x108: {  	v0 =	vld.msk [tilespmem:s3+$0x0], $0x1;
	_ =	sdelay $0x4  }
0x109: {  	(v2sf) =	vpush v0, $0x0;
	_ =	sdelay $0xe  }
0x10a: {  	s2 =	sadd.s32 $0xFFFFFFFF, s2;
	s4 =	spop (v2sf)  }
0x10b: {  	p1 =	sne.s32 s2, $0x0;
	p0 =	sgt.u32 s4, $0x187FF  }
.Ltmp18:
0x10c: {  	s5 =	sshrl.u32 @!p0 s4, $0x3;
	(pc) =	sbr.rel @!p1 .LBB2_26-.Ltmp18, $4  }
0x10d: {  	s3 =	simm.s32 $0xE0;
	s4 =	sand.u32 @!p0 $0x7, s4;
	s5 =	sadd.s32 @!p0 s1, s5  }
0x10e: {  	[hbm4b:s5+s4] =	stream.linear.scatter @!p0 [tilespmem:s3], [sflag:$0x5], $0x1, $0x38;
	[tilespmem:$0x1C20] =	vst v63  }
0x10f: {  	s5 =	simm.s32 $0x0  }
0x110: {  	s4 =	simm.s32 $0xC1;
	s5 =	simm.s32 @!p0 $0x4  }
.LBB2_25:
0x111: {  	v0 =	vld.msk [tilespmem:s4+$0x0], $0x1;
	s2 =	sadd.s32 $0xFFFFFFFF, s2;
	s0 =	sadd.s32 s0, s5  }
0x112: {  	p0 =	sne.s32 s2, $0x0;
	_ =	sdelay $0x3  }
0x113: {  	(v2sf) =	vpush v0, $0x0;
	_ =	sdelay $0xe  }
.Ltmp19:
0x114: {  	s6 =	spop (v2sf);
	(pc) =	sbr.rel @p0 .LBB2_25-.Ltmp19, $4  }
0x115: {  	s5 =	simm.s32 $0x0;
	p1 =	sgt.u32 s6, $0x187FF  }
0x116: {  	s3 =	sadd.s32 $0x1, s3;
	s5 =	simm.s32 @!p1 $0x4;
	s7 =	sshrl.u32 @!p1 s6, $0x3  }
0x117: {  	s4 =	sadd.s32 $0x1, s4;
	s6 =	sand.u32 @!p1 $0x7, s6;
	s7 =	sadd.s32 @!p1 s1, s7  }
0x118: {  	[hbm4b:s7+s6] =	stream.linear.scatter @!p1 [tilespmem:s3], [sflag:$0x5], $0x1, $0x38;
	[tilespmem:$0x1C20] =	vst v63  }
.LBB2_26:
0x119: {  	s0 =	sadd.s32 s0, s5  }
0x11a: {  	s0 =	sshrl.u32 s0, $0x2  }
.LBB2_27:
0x11b: {  	s1 =	simm.s32 $0x5  }
0x11c: {  	_ =	swait.ge [sflag:s1], s0  }
0x11d: {  	s28 =	ssub.s32 $0x0, s0;
	[sflag:s1] =	ssyncset.done $0x0  }
0x11e: {  	[sflag:s1] =	ssyncadd.s32 s28  }
0x11f: {  	[sflag:s1] =	ssyncpa.u1 $0x1  }
0x120: {  	s29 =	simm.s32 $0x1;
	_ =	sfence  }
0x121: {  	s30 =	simm.s32 $0x2;
	[sflag:s29] =	ssyncpa.u1 $0x1  }
0x122: {  	[sflag:s30] =	ssyncpa.u1 $0x1  }
0x123: {  	_ =	strace $0x90000047  }
0x124: {  	[bflag:$0x2] =	sbarrier.arrive $0xFFFF  }
0x125: {  	s31 =	rddreg [dreg:$0x1]  }
0x126: {  	s0 =	sadd.s32 $0x100000, s31  }
0x127: {  	[sflag:s0] =	ssyncadd.tile.s32 $0x1;
	_ =	shalt  }
.Lfunc_end2:
_tile_overlayer_lowered:
.L_overlay_start_2:
0x128: {  	(tag) =	ssettag $0x2  }
0x129: {  	s0 =	rddreg [dreg:$0x0];
	s2 =	stileid.u32  }
0x12a: {  	s1 =	rddreg [dreg:$0x1];
	p0 =	sne.s32 s2, $0x0  }
0x12b: {  	s3 =	rddreg [dreg:$0x2];
	[bflag:$0x3] =	sbarrier.arrive $0xFFFF;
	s2 =	simm.s32 @!p0 $0x1C01  }
0x12c: {  	[timem:s3], [sflag:s2] =	dma.local @!p0 [hbm:s0], s1  }
0x12d: {  	s0 =	simm.s32 @!p0 $0x1  }
0x12e: {  	_ =	swait.ge @!p0 [sflag:s0], s1  }
0x12f: {  	s1 =	ssub.s32 @!p0 $0x0, s1;
	[sflag:s0] =	ssyncset.done @!p0 $0x0  }
0x130: {  	[sflag:s0] =	ssyncadd.s32 @!p0 s1  }
0x131: {  	[bflag:$0x3] =	sbarrier.arrive $0xFFFF  }
0x132: {  	_ =	shalt  }

// kernel: sparse-core-data-format-call.cloned.1.call-start
scs
called_computation.1_lowered:
.L_overlay_start_0:
0x0: {  	s2 =	sld [smem:$0x3FD9]  }
0x1: {  	s3 =	sld [smem:$0x3FFE];
	_ =	sdelay $0x1  }
0x2: {  	s1 =	srdreg.scid  }
0x3: {  	s0 =	sand.u32 $0x1, s1  }
0x4: {  	s15 =	sshll.u32 s0, $0xA;
	s2 =	sadd.s32 s3, s2  }
0x5: {  	s2 =	sadd.s32 s2, s15  }
0x6: {  	[smem:$0x3FB3] =	sst s2  }
0x7: {  	_ = 	snop  }
0x8: {  	s2 =	sld [smem:$0x3FD0];
	_ =	sdelay $0x2  }
0x9: {  	s16 =	simm.s32 $0xB;
	s4 =	simm.s32 $0x10  }
0xa: {  	[smem:s4], [sflag:s16] =	dma.local [hbm:s2], $0x1  }
0xb: {  	_ =	swait.eq [sflag:s16], $0x1  }
0xc: {  	[sflag:s16] =	ssyncset.done $0x0  }
0xd: {  	[sflag:s16] =	ssyncadd.s32 $0xFFFFFFFF  }
0xe: {  	s17 =	sld [smem:$0x12];
	(tm) =	ssettm $0x1  }
0xf: {  	s18 =	sld [smem:$0x3FFB];
	_ =	sdelay $0x3  }
0x10: {  	_ =	strace s18  }
0x11: {  	s3 =	sld [smem:$0x3FFC];
	_ =	sdelay $0x3  }
0x12: {  	_ =	strace s3  }
0x13: {  	s3 =	sld [smem:$0x3FFD];
	_ =	sdelay $0x3  }
0x14: {  	_ =	strace s3  }
0x15: {  	_ =	strace $0x8FFFFFFF  }
0x16: {  	s19 =	sld [smem:$0x3FDB];
	_ =	sdelay $0x1  }
0x17: {  	s20 =	simm.s32 $_scs_section_size  }
0x18: {  	s5 =	simm.s32 $_size__tile_overlayer_lowered;
	s6 =	simm.s32 $_tile_overlayer_lowered  }
0x19: {  	s23 =	simm.s32 $0x1BFF;
	s22 =	sshll.u32 s6, $0x1;
	s3 =	sadd.s32 s20, s19  }
0x1a: {  	s7 =	simm.s32 $0x0;
	s21 =	sshll.u32 s5, $0x1;
	s5 =	sadd.s32 s22, s3  }
0x1b: {  	[timem:s7], [sflag:s23] =	dma.local [hbm:s5], s21  }
0x1c: {  	_ =	swait.ge [sflag:s23], s21  }
0x1d: {  	s4 =	ssub.s32 $0x0, s21;
	[sflag:s23] =	ssyncset.done $0x0  }
0x1e: {  	[sflag:s23] =	ssyncadd.s32 s4;
	_ =	sdelay $0x1  }
0x1f: {  	s24 =	simm.s32 $0x1B8B  }
0x20: {  	_ =	swait.ge [sflag:s24], $0x1  }
0x21: {  	[sflag:s24] =	ssyncset.done $0x0  }
0x22: {  	s26 =	simm.s32 $0x1B8E;
	s25 =	sld [smem:$0x3FFE];
	[sflag:s24] =	ssyncadd.s32 $0xFFFFFFFF  }
0x23: {  	s27 =	simm.s32 $execute0_lowered;
	[smem:$0x3FD2] =	sst s26  }
0x24: {  	s5 =	sshll.u32 s27, $0x1;
	_ =	strace $0x80000052;
	[dreg:$0x1] =	wrdreg $0xFFFFFFFF  }
0x25: {  	s28 =	simm.s32 $_size_execute0_lowered;
	s3 =	sadd.s32 s3, s5;
	[dreg:$0x0] =	wrdreg $0x0  }
0x26: {  	s5 =	sshll.u32 s28, $0x1;
	[dreg:$0x2] =	wrdreg s3  }
0x27: {  	[dreg:$0x3] =	wrdreg s5  }
0x28: {  	[dreg:$0x4] =	wrdreg $0xC0  }
0x29: {  	_ =	task [dreg:s7], $0x5FFFF  }
0x2a: {  	[dreg:$0x1] =	wrdreg $0xFFFFFFFF  }
0x2b: {  	[dreg:$0x0] =	wrdreg $0x60  }
0x2c: {  	[dreg:$0x2] =	wrdreg s25  }
0x2d: {  	[dreg:$0x3] =	wrdreg s17  }
0x2e: {  	[dreg:$0x4] =	wrdreg $0x9  }
0x2f: {  	_ =	task.clear_ibuf [dreg:s7], $0x5FFFF;
	_ =	strace $0x90000052  }
0x30: {  	s29 =	simm.s32 $0x9;
	_ =	strace $0x80000054  }
0x31: {  	_ =	swait.ge [sflag:s29], $0x1  }
0x32: {  	[sflag:s29] =	ssyncadd.s32 $0xFFFFFFFF  }
0x33: {  	_ =	strace $0x90000054  }
0x34: {  	_ =	sfence  }
0x35: {  	s30 =	sld [smem:$0x0];
	_ =	sdelay $0x2  }
0x36: {  	s31 =	sshll.u32 s1, $0xD;
	s1 =	sshrl.u32 s1, $0x2  }
0x37: {  	s3 =	sand.u32 $0x4000, s31;
	s1 =	sadd.s32 s1, s30  }
0x38: {  	s0 =	sor.u32 s3, s0;
	s1 =	sshll.u32 s1, $0x11  }
0x39: {  	s0 =	sor.u32 s1, s0  }
0x3a: {  	s0 =	sadd.s32 $0x8F2B, s0  }
0x3b: {  	[sflag:s0] =	ssyncadd.remote.s32 $0x1  }
0x3c: {  	_ =	sfence.sel $0xFFFF  }
0x3d: {  	[dreg:$0x0] =	wrdreg $0xFFFFFFFF;
	(pc) =	sbr.abs _section_cstart, $3  }
0x3e: {  	[dreg:$0x1] =	wrdreg $0xFFFFFFFF  }
0x3f: {  	_ =	task.clear_ibuf [dreg:s7], $0x2FFFF;
	_ =	strace $0x9FFFFFFF  }
0x40: {  	(tm) =	ssettm $0x7FFFFFFF  }
0x41: {  	_ =	shalt  }
tec
execute0_lowered:
.L_overlay_start_1:
0x0: {  	(tag) =	ssettag $0x1  }
0x1: {  	s4 =	rddreg [dreg:$0x0]  }
0x2: {  	s0 =	srdreg.scid;
	s2 =	rddreg [dreg:$0x1]  }
0x3: {  	s1 =	stileid.u32;
	s5 =	simm.s32 $0x1;
	s0 =	sshll.u32 s0, $0x4  }
0x4: {  	s7 =	simm.s32 $0x2;
	s12 =	simm.s32 $0x0;
	s3 =	sand.u32 $0x10, s0  }
.Ltmp0:
0x5: {  	s8 =	simm.s32 $0xC3800;
	s3 =	sor.u32 s1, s3;
	(pc) =	sbr.rel .LBB1_1-.Ltmp0, $4  }
0x6: {  	s10 =	simm.s32 $0x0;
	s11 =	simm.s32 $0x0;
	s3 =	sshll.u32 s3, $0x7  }
0x7: {  	s0 =	rddreg [dreg:$0x2];
	_ =	strace $0x80000053;
	s6 =	ssub.s32 $0x18680, s3  }
0x8: {  	s4 =	sadd.s32 $0x4800, s4;
	[sflag:s5] =	ssyncpa.u1 $0x0;
	s6 =	sshrl.u32 s6, $0xC  }
0x9: {  	[sflag:s7] =	ssyncpa.u1 $0x0;
	s9 =	smov.u32 s3;
	s7 =	sadd.s32 $0x2, s6  }
.LBB1_5:
0xa: {  	[tilespmem:s23+$0x0 ss:$0x81] =	vst.msk $0xffff, v4;
	s15 =	sadd.s32 s18, s20  }
0xb: {  	s16 =	sadd.s32 s18, s21;
	[tilespmem:s15+$0x0 ss:$0x81] =	vst.msk $0xffff, v2  }
0xc: {  	s31 =	sadd.s32 s18, s22;
	[tilespmem:s16+$0x0 ss:$0x81] =	vst.msk $0xffff, v1  }
0xd: {  	[tilespmem:s31+$0x0 ss:$0x81] =	vst.msk $0xffff, v3  }
.LBB1_6:
0xe: {  	s15 =	sshll.u32 s10, $0x3  }
0xf: {  	s15 =	sand.u32 $0xFFFFFC00, s15  }
0x10: {  	s17 =	smulhi.u32 $0xA79C7B17, s15;
	_ =	sdelay $0x1  }
0x11: {  	s16 =	sand.u32 $0x7F, s10;
	s17 =	sshrl.u32 s17, $0x10  }
0x12: {  	s15 =	sor.u32 s16, s15;
	s18 =	smul.u32 $0x4EC5, s17  }
0x13: {  	p0 =	sgt.s32 s10, $0x18680;
	s19 =	smov.u32 s10;
	s16 =	smulhi.u32 $0xA79C7B17, s15  }
0x14: {  	s19 =	simm.s32 @!p0 $0x18680;
	s18 =	sshrl.u32 s18, $0x15  }
0x15: {  	s13 =	sadd.s32 s13, s19;
	s16 =	sshrl.u32 s16, $0x10;
	s18 =	smul.u32 $0x68, s18  }
0x16: {  	s30 =	sadd.s32 $0xFFFE7980, s13;
	s16 =	smul.u32 $0x18700, s16  }
0x17: {  	s13 =	ssub.s32 $0x18700, s13;
	p0 =	sgt.s32 s30, $0x7F;
	s29 =	ssub.s32 s17, s18  }
0x18: {  	s13 =	smul.u32 $0x1A0, s13;
	s15 =	ssub.s32 s15, s16;
	s16 =	sand.u32 $0xFFFF, s29  }
0x19: {  	s31 =	sshrl.u32 s15, $0x3;
	s15 =	sand.u32 $0x7, s15;
	s16 =	smul.u32 $0x30E0, s16  }
0x1a: {  	s13 =	sshrl.u32 s13, $0x2;
	s17 =	sadd.s32 s2, s31;
	s15 =	sshll.u32 s15, $0x12  }
0x1b: {  	s13 =	simm.s32 @p0 $0x0;
	s15 =	sor.u32 $0x400, s15;
	s16 =	sadd.s32 s16, s17  }
0x1c: {  	[hbm4b:s16+s15] =	stream.strided.scatter [tilespmem:s14], [sflag:$0x2], s13, s8, s15, $0x20;
	[tilespmem:$0x10100] =	vst v63  }
.LBB1_7:
0x1d: {  	p0 =	slt.u32 s11, $0x2  }
0x1e: {  	p1 =	sgt.s32 @!p0 s12, $0x18680  }
0x1f: {  	s13 =	smov.u32 s12;
	s14 =	sshra.s32 @!p0 s12, $0x1F;
	p1 =	por !p1, p0  }
0x20: {  	s12 =	sand.u32 @!p0 s14, s12;
	s13 =	simm.s32 @p1 $0x18680  }
0x21: {  	s12 =	ssub.s32 @!p0 s13, s12  }
0x22: {  	s13 =	ssub.s32 @!p0 $0x18700, s12  }
0x23: {  	s12 =	sadd.s32 @!p0 $0xFFFE7980, s12;
	s13 =	smul.u32 @!p0 $0x1A0, s13  }
0x24: {  	p1 =	sgt.s32 @!p0 s12, $0x7F  }
0x25: {  	s14 =	sadd.s32 $0x1000, s9;
	p1 =	por !p1, p0;
	s12 =	sshrl.u32 @!p0 s13, $0x2  }
0x26: {  	s12 =	simm.s32 @!p1 $0x0;
	p1 =	sgt.s32 s14, $0x1869F  }
0x27: {  	s14 =	smov.u32 @p1 s3;
	p1 =	sne.s32 s11, s7  }
.Ltmp1:
0x28: {  	_ = 	snop;
	(pc) =	sbr.rel @!p1 .LBB1_8-.Ltmp1, $4  }
0x29: {  	s13 =	simm.s32 @!p0 $0x2  }
0x2a: {  	_ =	swait.ge @!p0 [sflag:s13], s12;
	s15 =	ssub.s32 @!p0 $0x0, s12  }
0x2b: {  	s12 =	smov.u32 s10;
	s11 =	sadd.s32 $0x1, s11;
	[sflag:s13] =	ssyncset.done @!p0 $0x0  }
0x2c: {  	s10 =	smov.u32 s9;
	s9 =	smov.u32 s14;
	[sflag:s13] =	ssyncadd.s32 @!p0 s15  }
.LBB1_1:
0x2d: {  	p0 =	sgt.u32 s11, s6  }
0x2e: {  	s13 =	sand.u32 @!p0 $0x1FFFFFF, s9  }
0x2f: {  	p1 =	sgt.s32 @!p0 s9, $0x18620;
	s14 =	smulhi.u32 @!p0 $0x14F8B59, s13  }
0x30: {  	s15 =	smov.u32 s9;
	s16 =	sshra.s32 @!p0 s9, $0x1F;
	p1 =	por !p1, p0  }
0x31: {  	s16 =	sand.u32 @!p0 s16, s9;
	s15 =	simm.s32 @p1 $0x18620;
	s14 =	sshrl.u32 @!p0 s14, $0x9  }
0x32: {  	s15 =	ssub.s32 @!p0 s15, s16;
	s14 =	smul.u32 @!p0 $0x186A0, s14  }
0x33: {  	s16 =	sxor.u32 @!p0 $0xFFFFFFFF, s11;
	s15 =	sadd.s32 @!p0 $0xFFFE79E0, s15  }
0x34: {  	s16 =	sshll.u32 @!p0 s16, $0xE;
	s13 =	ssub.s32 @!p0 s13, s14;
	s14 =	sshll.u32 @!p0 s15, $0x9  }
0x35: {  	s16 =	sand.u32 @!p0 $0x4000, s16;
	p1 =	sgt.s32 @!p0 s15, $0x7F;
	s14 =	ssub.s32 @!p0 $0x10000, s14  }
0x36: {  	p1 =	por !p1, p0;
	s13 =	sshll.u32 @!p0 s13, $0x4;
	s14 =	sshrl.u32 @!p0 s14, $0x2  }
0x37: {  	s15 =	simm.s32 @!p0 $0x0;
	s13 =	sadd.s32 @!p0 s4, s13;
	s14 =	simm.s32 @!p1 $0x0  }
0x38: {  	[tilespmem:s16], [sflag:$0x1] =	stream.linear.gather @!p0 [hbm4b:s13+s15], s14, $0x38;
	[tilespmem:$0x10100] =	vst v63  }
0x39: {  	p0 =	seq.s32 s11, $0x0  }
0x3a: {  	p1 =	sge.u32 @!p0 s11, s7  }
0x3b: {  	p0 =	por p0, p1  }
.Ltmp2:
0x3c: {  	_ = 	snop;
	(pc) =	sbr.rel @p0 .LBB1_7-.Ltmp2, $1  }
0x3d: {  	_ =	sdelay $0x3  }
0x3e: {  	s13 =	ssub.s32 $0x0, s10  }
0x3f: {  	s14 =	sshra.s32 s10, $0x1F;
	p0 =	sgt.s32 s10, $0x18620;
	s15 =	smov.u32 s10  }
0x40: {  	s13 =	sand.u32 s13, s14;
	s15 =	simm.s32 @!p0 $0x18620  }
0x41: {  	s14 =	sadd.s32 s13, s15  }
0x42: {  	s17 =	sadd.s32 $0x80, s10;
	s14 =	sadd.s32 $0xFFFE79E0, s14  }
0x43: {  	p1 =	slt.s32 s17, $0x186A0;
	s31 =	sshll.u32 s14, $0x9  }
0x44: {  	s17 =	simm.s32 @!p1 $0x186A0;
	s15 =	ssub.s32 $0x10000, s31  }
0x45: {  	p0 =	sgt.s32 s14, $0x7F;
	s14 =	sshrl.u32 s15, $0x2;
	s15 =	ssub.s32 s17, s10  }
0x46: {  	s14 =	simm.s32 @p0 $0x0;
	p0 =	slt.s32 s15, $0x1  }
.Ltmp3:
0x47: {  	_ = 	snop;
	(pc) =	sbr.rel @p0 .LBB1_6-.Ltmp3, $4  }
0x48: {  	s16 =	sand.u32 $0x1, s11  }
0x49: {  	s18 =	smul.u32 $0x4080, s16;
	_ =	swait.ge [sflag:s5], s14  }
0x4a: {  	s14 =	ssub.s32 $0x0, s14;
	[sflag:s5] =	ssyncset.done $0x0  }
0x4b: {  	[sflag:s5] =	ssyncadd.s32 s14;
	s14 =	sor.u32 $0x8000, s18  }
0x4c: {  	s18 =	sshll.u32 s16, $0xE;
	s19 =	simm.s32 $0x0  }
0x4d: {  	s20 =	simm.s32 $0x10;
	s21 =	simm.s32 $0x20;
	s19 =	sand.u32 $0x78, s19  }
0x4e: {  	s20 =	sand.u32 $0x78, s20;
	s31 =	sxor.u32 $0x40, s19;
	s19 =	smul.u32 $0x204, s19  }
0x4f: {  	s23 =	simm.s32 $0x30;
	v0 =	vmov s18;
	s21 =	sand.u32 $0x78, s21;
	s20 =	smul.u32 $0x204, s20  }
0x50: {  	s24 =	simm.s32 $0x50;
	s23 =	sand.u32 $0x78, s23;
	s21 =	smul.u32 $0x204, s21  }
0x51: {  	s25 =	simm.s32 $0x60;
	s24 =	sand.u32 $0x78, s24;
	s23 =	smul.u32 $0x204, s23  }
0x52: {  	s16 =	simm.s32 $0x0;
	s25 =	sand.u32 $0x78, s25;
	s24 =	smul.u32 $0x204, s24  }
0x53: {  	s22 =	sand.u32 $0x3F80, s16;
	s30 =	smul.u32 $0x204, s25  }
0x54: {  	s17 =	simm.s32 $0x1;
	p0 =	sne.s32 s15, $0x1;
	s18 =	smul.u32 $0x204, s31;
	v1 =	vld.idx.msk [tilespmem:v0+s22+$0x40 ss:$0x1], $0xffff  }
0x55: {  	s19 =	sshrl.u32 s19, $0x2;
	s20 =	sshrl.u32 s20, $0x2;
	s21 =	sshrl.u32 s21, $0x2;
	v3 =	vld.idx.msk [tilespmem:v0+s22+$0x0 ss:$0x1], $0xffff  }
0x56: {  	s29 =	sshrl.u32 s23, $0x2;
	s25 =	sshrl.u32 s30, $0x2;
	s26 =	sshrl.u32 s18, $0x2;
	v5 =	vld.idx.msk [tilespmem:v0+s22+$0x10 ss:$0x1], $0xffff  }
.Ltmp4:
0x57: {  	s18 =	sand.u32 $0x7F, s16;
	s26 =	sadd.s32 s26, s14;
	v4 =	vld.idx.msk [tilespmem:v0+s22+$0x20 ss:$0x1], $0xffff;
	(pc) =	sbr.rel @!p0 .LBB1_5-.Ltmp4, $4  }
0x58: {  	s19 =	sadd.s32 s19, s14;
	s27 =	sadd.s32 s20, s14;
	v2 =	vld.idx.msk [tilespmem:v0+s22+$0x30 ss:$0x1], $0xffff;
	s26 =	sadd.s32 s18, s26  }
0x59: {  	s28 =	sadd.s32 s21, s14;
	s21 =	sshrl.u32 s24, $0x2;
	s19 =	sadd.s32 s18, s19;
	[tilespmem:s26+$0x0 ss:$0x81] =	vst.msk $0xffff, v1;
	v1 =	vld.idx.msk [tilespmem:v0+s22+$0x50 ss:$0x1], $0xffff  }
0x5a: {  	s20 =	sadd.s32 s29, s14;
	s31 =	sadd.s32 s18, s27;
	s21 =	sadd.s32 s21, s14;
	[tilespmem:s19+$0x0 ss:$0x81] =	vst.msk $0xffff, v3;
	v3 =	vld.idx.msk [tilespmem:v0+s22+$0x60 ss:$0x1], $0xffff  }
0x5b: {  	s23 =	sadd.s32 s18, s28;
	[tilespmem:s31+$0x0 ss:$0x81] =	vst.msk $0xffff, v5;
	s22 =	sadd.s32 s25, s14;
	s19 =	simm.s32 $0x3008  }
.LBB1_4:
0x5c: {  	s24 =	sadd.s32 $0xFFFFD000, s19  }
0x5d: {  	s25 =	sadd.s32 $0xFFFFD800, s19;
	[tilespmem:s23+$0x0 ss:$0x81] =	vst.msk $0xffff, v4;
	s23 =	smov.u32 s17;
	s17 =	sadd.s32 $0x1, s17  }
0x5e: {  	s16 =	sadd.s32 $0x80, s16;
	s24 =	sshrl.u32 s24, $0x7;
	p0 =	sne.s32 s15, s17  }
0x5f: {  	s27 =	sadd.s32 $0xFFFFE000, s19;
	s26 =	sand.u32 $0x3F80, s16;
	s24 =	sand.u32 $0x78, s24  }
0x60: {  	s28 =	sadd.s32 $0xFFFFE800, s19;
	s30 =	sadd.s32 $0xFFFFF800, s19;
	v5 =	vld.idx.msk [tilespmem:v0+s26+$0x40 ss:$0x1], $0xffff;
	s29 =	sxor.u32 $0x40, s24  }
0x61: {  	s25 =	sshrl.u32 s25, $0x7;
	s27 =	sshrl.u32 s27, $0x7;
	v6 =	vld.idx.msk [tilespmem:v0+s26+$0x0 ss:$0x1], $0xffff;
	s29 =	smul.u32 $0x204, s29  }
0x62: {  	s31 =	sshrl.u32 s19, $0x7;
	s28 =	sshrl.u32 s28, $0x7;
	s30 =	sshrl.u32 s30, $0x7;
	v7 =	vld.idx.msk [tilespmem:v0+s26+$0x10 ss:$0x1], $0xffff  }
0x63: {  	s25 =	sand.u32 $0x78, s25;
	s27 =	sand.u32 $0x78, s27;
	v4 =	vld.idx.msk [tilespmem:v0+s26+$0x20 ss:$0x1], $0xffff;
	s29 =	sshrl.u32 s29, $0x2  }
0x64: {  	s23 =	sand.u32 $0x7F, s23;
	s28 =	sand.u32 $0x78, s28;
	v8 =	vld.idx.msk [tilespmem:v0+s26+$0x30 ss:$0x1], $0xffff;
	s29 =	sadd.s32 s29, s14  }
0x65: {  	s31 =	sand.u32 $0x78, s31;
	s30 =	sand.u32 $0x78, s30;
	s29 =	sadd.s32 s23, s29;
	v9 =	vld.idx.msk [tilespmem:v0+s26+$0x50 ss:$0x1], $0xffff  }
0x66: {  	s20 =	sadd.s32 s18, s20;
	s21 =	sadd.s32 s18, s21;
	s24 =	smul.u32 $0x204, s24;
	[tilespmem:s29+$0x0 ss:$0x81] =	vst.msk $0xffff, v5;
	v5 =	vld.idx.msk [tilespmem:v0+s26+$0x60 ss:$0x1], $0xffff  }
0x67: {  	s25 =	smul.u32 $0x204, s25;
	[tilespmem:s20+$0x0 ss:$0x81] =	vst.msk $0xffff, v2;
	s20 =	sadd.s32 s18, s22  }
0x68: {  	s18 =	smov.u32 s23;
	s22 =	sshrl.u32 s24, $0x2;
	s23 =	smul.u32 $0x204, s27  }
0x69: {  	s24 =	smul.u32 $0x204, s28;
	[tilespmem:s21+$0x0 ss:$0x81] =	vst.msk $0xffff, v1;
	s21 =	sadd.s32 s22, s14  }
0x6a: {  	s22 =	sshrl.u32 s25, $0x2;
	[tilespmem:s20+$0x0 ss:$0x81] =	vst.msk $0xffff, v3;
	s20 =	sshrl.u32 s23, $0x2;
	s23 =	smul.u32 $0x204, s30  }
.Ltmp5:
0x6b: {  	s22 =	sadd.s32 s22, s14;
	(pc) =	sbr.rel @p0 .LBB1_4-.Ltmp5, $4  }
0x6c: {  	v2 =	vmov v8;
	s25 =	sadd.s32 s20, s14;
	s20 =	sshrl.u32 s24, $0x2;
	s24 =	smul.u32 $0x204, s31;
	v1 =	vmov v9  }
0x6d: {  	s21 =	sadd.s32 s18, s21;
	s20 =	sadd.s32 s20, s14;
	s23 =	sshrl.u32 s23, $0x2;
	v3 =	vmov v5  }
0x6e: {  	s22 =	sadd.s32 s18, s22;
	s24 =	sshrl.u32 s24, $0x2;
	[tilespmem:s21+$0x0 ss:$0x81] =	vst.msk $0xffff, v6;
	s21 =	sadd.s32 s23, s14  }
0x6f: {  	s19 =	sadd.s32 $0x8, s19;
	s23 =	sadd.s32 s18, s25;
	[tilespmem:s22+$0x0 ss:$0x81] =	vst.msk $0xffff, v7;
	s22 =	sadd.s32 s24, s14  }
.Ltmp6:
0x70: {  	_ = 	snop;
	(pc) =	sbr.rel .LBB1_5-.Ltmp6, $1  }
0x71: {  	_ =	sdelay $0x3  }
.LBB1_8:
0x72: {  	_ =	sfence.sel $0x180000  }
0x73: {  	s2 =	simm.s32 $0x1;
	[bflag:$0x0] =	sbarrier.arrive $0xFFFF  }
0x74: {  	s31 =	simm.s32 $0x2;
	[sflag:s2] =	ssyncpa.u1 $0x1  }
0x75: {  	[sflag:s31] =	ssyncpa.u1 $0x1  }
0x76: {  	p0 =	sne.s32 s1, $0x0;
	_ =	strace $0x90000053  }
0x77: {  	s0 =	sadd.s32 @!p0 $0x100000, s0;
	[bflag:$0x2] =	sbarrier.arrive $0xFFFF  }
0x78: {  	[sflag:s0] =	ssyncadd.tile.s32 @!p0 $0x1;
	_ =	shalt  }
.Lfunc_end1:
_tile_overlayer_lowered:
.L_overlay_start_2:
0x79: {  	(tag) =	ssettag $0x2  }
0x7a: {  	s0 =	rddreg [dreg:$0x0];
	s2 =	stileid.u32  }
0x7b: {  	s1 =	rddreg [dreg:$0x1];
	p0 =	sne.s32 s2, $0x0  }
0x7c: {  	s3 =	rddreg [dreg:$0x2];
	[bflag:$0x3] =	sbarrier.arrive $0xFFFF;
	s2 =	simm.s32 @!p0 $0x1C01  }
0x7d: {  	[timem:s3], [sflag:s2] =	dma.local @!p0 [hbm:s0], s1  }
0x7e: {  	s0 =	simm.s32 @!p0 $0x1  }
0x7f: {  	_ =	swait.ge @!p0 [sflag:s0], s1  }
0x80: {  	s1 =	ssub.s32 @!p0 $0x0, s1;
	[sflag:s0] =	ssyncset.done @!p0 $0x0  }
0x81: {  	[sflag:s0] =	ssyncadd.s32 @!p0 s1  }
0x82: {  	[bflag:$0x3] =	sbarrier.arrive $0xFFFF  }
0x83: {  	_ =	shalt  }

</sc_bundles>
